<compile_context>
chip_gen: v7x
topology: tpu7x:2x2x1
jax: 0.10.2.dev20260603
libtpu: 0.0.44.dev20260713+nightly
codegen_flags: <defaults>
</compile_context>

<pallas_src>
import functools
import numpy as np
import jax
import jax.numpy as jnp
from jax import lax
from jax.experimental import pallas as pl
from jax.experimental.pallas import tpu as pltpu
from jax.experimental.pallas import tpu_sc as plsc

B = 4096
S = 20
EMB = 36
F = 48
OUT = 256
NTOT = 2 * B * S
PER_W = NTOT // 32
CHUNK = 128


def _pad48(x):
    z = jnp.zeros((x.shape[0], F - EMB), jnp.float32)
    return jnp.concatenate([x, z], axis=1)


def _pk_body(pc_emb, addr_emb, enc_W, enc_b, p_all, p_ad):
    dn = (((1,), (1,)), ((), ()))
    for st, emb in enumerate((pc_emb[...], addr_emb[...])):
        for i in range(4):
            w_i = enc_W[:, EMB * i:EMB * (i + 1)]
            p = lax.dot_general(emb[i], w_i, dn,
                                preferred_element_type=jnp.float32)
            if st == 1:
                p_ad[i] = p
            if i == 0:
                p = p + enc_b[...]
            p_all[st * 4 + i] = p


def _t01_body(p_all, t01):
    st = pl.program_id(0)
    g = pl.program_id(1)
    a0 = _pad48(p_all[st * 4, pl.ds(g * 32, 32), :])
    a1 = _pad48(p_all[st * 4 + 1])
    t01[...] = jnp.reshape(a0[:, None, :] + a1[None, :, :], (8192, F))


def _t23_body(p_all, t23):
    st = pl.program_id(0)
    g = pl.program_id(1)
    a2 = _pad48(p_all[st * 4 + 2, pl.ds(g * 32, 32), :])
    a3 = _pad48(p_all[st * 4 + 3])
    t23[...] = jnp.reshape(a2[:, None, :] + a3[None, :, :], (8192, F))


def _sc_body(vals_hbm, t01_hbm, t23_hbm, o01_hbm, o23_hbm,
             vals_v, idx01_v, idx23_v, row_v, g01_v, g23_v, sem1, sem2):
    wid = lax.axis_index("s") * 2 + lax.axis_index("c")
    st = wid // 16
    base = wid * PER_W
    nloc0 = (wid % 16) * PER_W
    off01 = st * 32768
    off23 = st * 65536
    rowoff = st * B
    pltpu.sync_copy(vals_hbm.at[pl.ds(base, PER_W)], vals_v)

    @pl.loop(0, PER_W, step=CHUNK)
    def _chunk(co):
        @pl.loop(0, CHUNK, step=16)
        def _idx(k):
            v = vals_v[pl.ds(co + k, 16)]
            idx01_v[pl.ds(k, 16)] = (v >> 16) + off01
            idx23_v[pl.ds(k, 16)] = (v & 0xFFFF) + off23
            n = (nloc0 + co + k) + lax.iota(jnp.int32, 16)
            row_v[pl.ds(k, 16)] = (n % S) * (2 * B) + rowoff + (n // S)

        c1 = pltpu.async_copy(t01_hbm.at[idx01_v], g01_v, sem1)
        c2 = pltpu.async_copy(t23_hbm.at[idx23_v], g23_v, sem2)
        c1.wait()
        c2.wait()
        c3 = pltpu.async_copy(g01_v, o01_hbm.at[row_v], sem1)
        c4 = pltpu.async_copy(g23_v, o23_hbm.at[row_v], sem2)
        c3.wait()
        c4.wait()


def _dense_body(bb, o01pc, o23pc, o01ad, o23ad, w1pc, w1ad, b1w, w2m, b2w,
                w3m, b3w, decm, dec_b, p_ad, enc_b, rf1m, rf1b, rf2m, rf2b,
                probs0, probs1, probs2, probs3, log0, log1, log2, log3, fr):
    def widen(a, c):
        x = jax.nn.sigmoid(a[...] + c[...])
        pieces = [x[s] for s in range(S)]
        wide = jnp.concatenate(pieces, axis=1)
        d = pieces[0]
        for s in range(1, S):
            d = d + pieces[s]
        return wide, d * (1.0 / S)

    xp, dist_pc = widen(o01pc, o23pc)
    xa, dist_ad = widen(o01ad, o23ad)

    h1 = jnp.dot(xp, w1pc[...], preferred_element_type=jnp.float32) \
        + jnp.dot(xa, w1ad[...], preferred_element_type=jnp.float32) \
        + b1w[...]
    h2 = jnp.dot(h1, w2m[...], preferred_element_type=jnp.float32) + b2w[...]
    h3 = jnp.dot(h2, w3m[...], preferred_element_type=jnp.float32) + b3w[...]
    h24 = jnp.maximum(h3[:, 0:24], h3[:, 24:48])

    probs_refs = (probs0, probs1, probs2, probs3)
    log_refs = (log0, log1, log2, log3)
    fe_pre = None
    for i in range(4):
        logits = jnp.dot(h24, decm[i], preferred_element_type=jnp.float32) \
            + dec_b[i][None, :]
        log_refs[i][...] = logits
        ls = logits / 0.01
        m = jnp.max(ls, axis=1, keepdims=True)
        e = jnp.exp(ls - m)
        p = e / jnp.sum(e, axis=1, keepdims=True)
        probs_refs[i][...] = p
        contrib = jnp.dot(p, p_ad[i], preferred_element_type=jnp.float32)
        fe_pre = contrib if fe_pre is None else fe_pre + contrib

    fe = jax.nn.sigmoid(fe_pre + enc_b[...])
    feat = jnp.concatenate([fe, dist_pc[:, :EMB], dist_ad[:, :EMB]], axis=1)
    r1 = jnp.maximum(
        jnp.dot(feat, rf1m[...], preferred_element_type=jnp.float32)
        + rf1b[...], 0.0)
    fr[...] = jnp.dot(r1, rf2m[...], preferred_element_type=jnp.float32) \
        + rf2b[...]


def _conv_mats(conv1_w, conv2_w, conv3_w):
    def rep(a, r0, r1):
        return jnp.repeat(jnp.repeat(a, r0, axis=0), r1, axis=1)

    f_row = np.arange(S * F) % F
    j_col = np.arange(700) % 35
    def w1_half(off):
        acc = None
        for k in range(3):
            m = ((f_row[:, None] + off == 2 * j_col[None, :] + k)
                 & (f_row[:, None] < EMB)).astype(np.float32)
            t = jnp.asarray(m) * rep(conv1_w[:, :, k].T, F, 35)
            acc = t if acc is None else acc + t
        return acc
    w1pc = w1_half(0)
    w1ad = w1_half(EMB)

    j_row2 = np.arange(700) % 35
    j2_col = np.arange(170) % 17
    acc = None
    for k in range(3):
        m = (j_row2[:, None] == 2 * j2_col[None, :] + k).astype(np.float32)
        t = jnp.asarray(m) * rep(conv2_w[:, :, k].T, 35, 17)
        acc = t if acc is None else acc + t
    w2m = acc

    j2_row = np.arange(170) % 17
    c3 = np.arange(48)
    j3_col = 2 * (c3 % 4) + c3 // 24
    acc = None
    for k in range(3):
        m = (j2_row[:, None] == 2 * j3_col[None, :] + k).astype(np.float32)
        v = jnp.tile(jnp.repeat(conv3_w[:, :, k].T, 4, axis=1), (1, 2))
        t = jnp.asarray(m) * jnp.repeat(v, 17, axis=0)
        acc = t if acc is None else acc + t
    w3m = acc
    return w1pc, w1ad, w2m, w3m


def kernel(inp, pc_emb, addr_emb, enc_W, enc_b, conv1_w, conv1_b, conv2_w,
           conv2_b, conv3_w, conv3_b, dec_W, dec_b, rf1_W, rf1_b, rf2_W,
           rf2_b):
    f32 = jnp.float32
    enc_b2 = enc_b.reshape(1, EMB)

    p_all, p_ad = pl.pallas_call(
        _pk_body,
        out_shape=[
            jax.ShapeDtypeStruct((8, 256, EMB), f32),
            jax.ShapeDtypeStruct((4, 256, EMB), f32),
        ],
    )(pc_emb, addr_emb, enc_W, enc_b2)
    pspec = pl.BlockSpec((8, 256, EMB), lambda i, j: (0, 0, 0))
    t01 = pl.pallas_call(
        _t01_body,
        grid=(2, 4),
        in_specs=[pspec],
        out_specs=pl.BlockSpec((8192, F), lambda i, j: (i * 4 + j, 0)),
        out_shape=jax.ShapeDtypeStruct((65536, F), f32),
    )(p_all)
    t23 = pl.pallas_call(
        _t23_body,
        grid=(2, 8),
        in_specs=[pspec],
        out_specs=pl.BlockSpec((8192, F), lambda i, j: (i * 8 + j, 0)),
        out_shape=jax.ShapeDtypeStruct((131072, F), f32),
    )(p_all)

    vals = jnp.concatenate([inp[:, :, 0].reshape(-1), inp[:, :, 1].reshape(-1)])
    mesh = plsc.VectorSubcoreMesh(core_axis_name="c", subcore_axis_name="s")
    sc = pl.kernel(
        _sc_body,
        out_type=[jax.ShapeDtypeStruct((NTOT, F), f32)] * 2,
        mesh=mesh,
        scratch_types=[
            pltpu.VMEM((PER_W,), jnp.int32),
            pltpu.VMEM((CHUNK,), jnp.int32),
            pltpu.VMEM((CHUNK,), jnp.int32),
            pltpu.VMEM((CHUNK,), jnp.int32),
            pltpu.VMEM((CHUNK, F), f32),
            pltpu.VMEM((CHUNK, F), f32),
            pltpu.SemaphoreType.DMA,
            pltpu.SemaphoreType.DMA,
        ],
        compiler_params=pltpu.CompilerParams(
            needs_layout_passes=False, use_tc_tiling_on_sc=False),
    )
    o01, o23 = sc(vals, t01, t23)
    o01 = o01.reshape(S, 2 * B, F)
    o23 = o23.reshape(S, 2 * B, F)

    w1pc, w1ad, w2m, w3m = _conv_mats(conv1_w, conv2_w, conv3_w)
    b1w = jnp.repeat(conv1_b, 35).reshape(1, 700)
    b2w = jnp.repeat(conv2_b, 17).reshape(1, 170)
    b3w = jnp.tile(conv3_b.reshape(6, 1), (2, 4)).reshape(1, 48)
    decm = dec_W.transpose(0, 2, 1)
    rf1m = rf1_W.T
    rf2m = rf2_W.T

    bb = 256
    grid = (B // bb,)
    nb = B // bb

    def full(*shape):
        return pl.BlockSpec(shape, lambda i: (0,) * len(shape))

    in_specs = [
        pl.BlockSpec((S, bb, F), lambda i: (0, i, 0)),
        pl.BlockSpec((S, bb, F), lambda i: (0, i, 0)),
        pl.BlockSpec((S, bb, F), lambda i: (0, i + nb, 0)),
        pl.BlockSpec((S, bb, F), lambda i: (0, i + nb, 0)),
        full(S * F, 700), full(S * F, 700), full(1, 700),
        full(700, 170), full(1, 170),
        full(170, 48), full(1, 48),
        full(4, 24, OUT), full(4, OUT),
        full(4, 256, EMB), full(1, EMB),
        full(3 * EMB, 10), full(1, 10),
        full(10, 2), full(1, 2),
    ]
    out_specs = (
        [pl.BlockSpec((bb, OUT), lambda i: (i, 0))] * 8
        + [pl.BlockSpec((bb, 2), lambda i: (i, 0))]
    )
    out_shape = (
        [jax.ShapeDtypeStruct((B, OUT), f32)] * 8
        + [jax.ShapeDtypeStruct((B, 2), f32)]
    )

    outs = pl.pallas_call(
        functools.partial(_dense_body, bb),
        grid=grid,
        in_specs=in_specs,
        out_specs=out_specs,
        out_shape=out_shape,
    )(o01, o23, o01, o23, w1pc, w1ad, b1w, w2m, b2w, w3m, b3w,
      decm, dec_b, p_ad, enc_b2, rf1m, rf1_b.reshape(1, 10),
      rf2m, rf2_b.reshape(1, 2))

    p0, p1, p2, p3, l0, l1, l2, l3, fr = outs
    return (p0, p1, p2, p3, l0, l1, l2, l3, fr[:, 0], fr[:, 1])

# --- scband reference (transcript-rebuilt; emitter-appended) ---
"""Pipeline reference for scband-deep-cache-44813688766883 (READ-ONLY COPY).

The authoritative reference and input builder live on the scoring server;
editing this copy changes nothing except your own understanding.
"""

import jax, jax.numpy as jnp
import numpy as np

B = 4096
S = 20          # window_size (global in original code)
EMB = 36        # input_size // 2
OUT = 256       # output_size = byte vocab


def _bytes(x):
    # big-endian 4-byte decomposition of a 32-bit nonnegative int: [N] -> [N, 4]
    shifts = jnp.array([24, 16, 8, 0], dtype=x.dtype)
    return (x[:, None] >> shifts[None, :]) & 255


def setup_inputs(seed: int = 0) -> dict:
    key = jax.random.key(seed)
    ks = jax.random.split(key, 20)
    inp = jax.random.randint(ks[0], (B, S, 2), 0, 2147483647, dtype=jnp.int32)
    sc = 0.05
    pc_emb = jax.random.normal(ks[1], (4, 256, EMB), jnp.float32) * sc
    addr_emb = jax.random.normal(ks[2], (4, 256, EMB), jnp.float32) * sc
    enc_W = jax.random.normal(ks[3], (EMB, EMB * 4), jnp.float32) * sc
    enc_b = jnp.zeros((EMB,), jnp.float32)
    conv1_w = jax.random.normal(ks[4], (20, S, 3), jnp.float32) * sc
    conv1_b = jnp.zeros((20,), jnp.float32)
    conv2_w = jax.random.normal(ks[5], (10, 20, 3), jnp.float32) * sc
    conv2_b = jnp.zeros((10,), jnp.float32)
    conv3_w = jax.random.normal(ks[6], (6, 10, 3), jnp.float32) * sc
    conv3_b = jnp.zeros((6,), jnp.float32)
    dec_W = jax.random.normal(ks[7], (4, OUT, 24), jnp.float32) * sc
    dec_b = jnp.zeros((4, OUT), jnp.float32)
    rf1_W = jax.random.normal(ks[8], (10, EMB * 3), jnp.float32) * sc
    rf1_b = jnp.zeros((10,), jnp.float32)
    rf2_W = jax.random.normal(ks[9], (2, 10), jnp.float32) * sc
    rf2_b = jnp.zeros((2,), jnp.float32)
    return dict(inp=inp, pc_emb=pc_emb, addr_emb=addr_emb, enc_W=enc_W, enc_b=enc_b,
                conv1_w=conv1_w, conv1_b=conv1_b, conv2_w=conv2_w, conv2_b=conv2_b,
                conv3_w=conv3_w, conv3_b=conv3_b, dec_W=dec_W, dec_b=dec_b,
                rf1_W=rf1_W, rf1_b=rf1_b, rf2_W=rf2_W, rf2_b=rf2_b)


def reference(inp, pc_emb, addr_emb, enc_W, enc_b, conv1_w, conv1_b, conv2_w, conv2_b,
              conv3_w, conv3_b, dec_W, dec_b, rf1_W, rf1_b, rf2_W, rf2_b):
    b, s, _ = inp.shape
    pc = inp[:, :, 0].reshape(-1)
    ad = inp[:, :, 1].reshape(-1)
    pcb = _bytes(pc)
    adb = _bytes(ad)
    # embedding gathers: 4 byte tables each for pc and address
    pc_e = jnp.concatenate([jnp.take(pc_emb[i], pcb[:, i], axis=0) for i in range(4)], axis=-1)
    ad_e = jnp.concatenate([jnp.take(addr_emb[i], adb[:, i], axis=0) for i in range(4)], axis=-1)
    enc = lambda x: jax.nn.sigmoid(x @ enc_W.T + enc_b)
    e_pc = enc(pc_e).reshape(b, s, EMB)
    e_ad = enc(ad_e).reshape(b, s, EMB)
    emb = jnp.concatenate([e_pc, e_ad], axis=-1)  # [b, s, 2*EMB]
    # distribution vector: expectation of gaussian-KDE sample mean == data mean
    dist = jnp.mean(emb, axis=1)

    def conv(x, w, bb):
        y = jax.lax.conv_general_dilated(x, w, (2,), 'VALID',
                                         dimension_numbers=('NCH', 'OIH', 'NCH'))
        return y + bb[None, :, None]

    h = conv(emb, conv1_w, conv1_b)
    h = conv(h, conv2_w, conv2_b)
    h = conv(h, conv3_w, conv3_b)
    h = jax.lax.reduce_window(h, -jnp.inf, jax.lax.max, (1, 1, 2), (1, 1, 2), 'VALID')
    h = h.reshape(b, -1)  # [b, 24]  (dropout is identity in eval)
    logits = [h @ dec_W[i].T + dec_b[i] for i in range(4)]
    probs = [jax.nn.softmax(l / 0.01, axis=1) for l in logits]
    be = jnp.concatenate([probs[i] @ addr_emb[i] for i in range(4)], axis=-1)
    fe = jax.nn.sigmoid(be @ enc_W.T + enc_b)
    fe = jnp.concatenate([fe, dist], axis=-1)
    fr = jax.nn.relu(fe @ rf1_W.T + rf1_b) @ rf2_W.T + rf2_b
    freq = fr[:, 0]
    rec = fr[:, 1]
    return (probs[0], probs[1], probs[2], probs[3],
            logits[0], logits[1], logits[2], logits[3], freq, rec)

if __name__ == "__main__":
    import jax
    _d = setup_inputs()
    print(jax.jit(kernel)(*tuple(_d.values())))

</pallas_src>

<mosaic_0001>
#map = affine_map<(d0, d1) -> (0)>
#map1 = affine_map<(d0, d1) -> (0, 0)>
module attributes {stable_mosaic.version = 14 : i64} {
  func.func @_sc_body(%arg0: i32, %arg1: i32, %arg2: memref<163840xi32, #tpu.memory_space<hbm>>, %arg3: memref<65536x48xf32, #tpu.memory_space<hbm>>, %arg4: memref<131072x48xf32, #tpu.memory_space<hbm>>, %arg5: memref<163840x48xf32, #tpu.memory_space<hbm>>, %arg6: memref<163840x48xf32, #tpu.memory_space<hbm>>, %arg7: memref<5120xi32, #tpu.memory_space<vmem>>, %arg8: memref<128xi32, #tpu.memory_space<vmem>>, %arg9: memref<128xi32, #tpu.memory_space<vmem>>, %arg10: memref<128xi32, #tpu.memory_space<vmem>>, %arg11: memref<128x48xf32, #tpu.memory_space<vmem>>, %arg12: memref<128x48xf32, #tpu.memory_space<vmem>>, %arg13: memref<!tpu.dma_semaphore, #tpu.memory_space<semaphore_mem>>, %arg14: memref<!tpu.dma_semaphore, #tpu.memory_space<semaphore_mem>>) attributes {dimension_semantics = [#tpu.dimension_semantics<core_parallel>, #tpu.dimension_semantics<subcore_parallel>], iteration_bounds = array<i64: 2, 16>, scalar_prefetch = 0 : i64, scratch_operands = 8 : i64, tpu.core_type = #tpu.core_type<sc_vector_subcore>, window_params = [{transform_indices = #map}, {transform_indices = #map1}, {transform_indices = #map1}, {transform_indices = #map1}, {transform_indices = #map1}]} {
    %mul3A = arith.constant 2 : i32
    %mul3A_0 = arith.muli %arg1, %mul3A : i32
    %add3A = arith.addi %mul3A_0, %arg0 : i32
    %jit3A = arith.constant 16 : i32
    %div3A = arith.divsi %add3A, %jit3A : i32
    %sign3A = arith.constant 0 : i32
    %sign3A_1 = arith.cmpi sgt, %add3A, %sign3A : i32
    %sign3A_2 = arith.extui %sign3A_1 : i1 to i32
    %sign3A_3 = arith.constant 0 : i32
    %sign3A_4 = arith.cmpi slt, %add3A, %sign3A_3 : i32
    %sign3A_5 = arith.extui %sign3A_4 : i1 to i32
    %sign3A_6 = arith.subi %sign3A_2, %sign3A_5 : i32
    %sign3A_7 = arith.constant 0 : i32
    %sign3A_8 = arith.cmpi sgt, %jit3A, %sign3A_7 : i32
    %sign3A_9 = arith.extui %sign3A_8 : i1 to i32
    %sign3A_10 = arith.constant 0 : i32
    %sign3A_11 = arith.cmpi slt, %jit3A, %sign3A_10 : i32
    %sign3A_12 = arith.extui %sign3A_11 : i1 to i32
    %sign3A_13 = arith.subi %sign3A_9, %sign3A_12 : i32
    %ne3A = arith.cmpi ne, %sign3A_6, %sign3A_13 : i32
    %rem3A = arith.remsi %add3A, %jit3A : i32
    %ne3A_14 = arith.constant 0 : i32
    %ne3A_15 = arith.cmpi ne, %rem3A, %ne3A_14 : i32
    %and3A = arith.andi %ne3A, %ne3A_15 : i1
    %sub3A = arith.constant 1 : i32
    %sub3A_16 = arith.subi %div3A, %sub3A : i32
    %select_n3A = arith.select %and3A, %sub3A_16, %div3A : i32
    %mul3A_17 = arith.constant 5120 : i32
    %mul3A_18 = arith.muli %add3A, %mul3A_17 : i32
    %jit3A_19 = arith.constant 16 : i32
    %eq3A = arith.constant 0 : i32
    %eq3A_20 = arith.cmpi eq, %jit3A_19, %eq3A : i32
    %jit3A_21 = arith.constant 1 : i32
    %select_n3A_22 = arith.select %eq3A_20, %jit3A_21, %jit3A_19 : i32
    %rem3A_23 = arith.remsi %add3A, %select_n3A_22 : i32
    %ne3A_24 = arith.constant 0 : i32
    %ne3A_25 = arith.cmpi ne, %rem3A_23, %ne3A_24 : i32
    %lt3A = arith.constant 0 : i32
    %lt3A_26 = arith.cmpi slt, %rem3A_23, %lt3A : i32
    %lt3A_27 = arith.constant 0 : i32
    %lt3A_28 = arith.cmpi slt, %select_n3A_22, %lt3A_27 : i32
    %ne3A_29 = arith.xori %lt3A_26, %lt3A_28 : i1
    %and3A_30 = arith.andi %ne3A_29, %ne3A_25 : i1
    %add3A_31 = arith.addi %rem3A_23, %select_n3A_22 : i32
    %select_n3A_32 = arith.select %and3A_30, %add3A_31, %rem3A_23 : i32
    %mul3A_33 = arith.constant 5120 : i32
    %mul3A_34 = arith.muli %select_n3A_32, %mul3A_33 : i32
    %mul3A_35 = arith.constant 32768 : i32
    %mul3A_36 = arith.muli %select_n3A, %mul3A_35 : i32
    %mul3A_37 = arith.constant 65536 : i32
    %mul3A_38 = arith.muli %select_n3A, %mul3A_37 : i32
    %mul3A_39 = arith.constant 4096 : i32
    %mul3A_40 = arith.muli %select_n3A, %mul3A_39 : i32
    "tpu.region"() ({
      %run_scoped3A = tpu.sem_alloc : memref<!tpu.dma_semaphore, #tpu.memory_space<semaphore_mem>>
      %dma_start3A = tpu.memref_slice %arg2[%mul3A_18] : memref<163840xi32, #tpu.memory_space<hbm>> -> memref<5120xi32, #tpu.memory_space<hbm>>
      %dma_start3A_45 = tpu.memref_slice %arg2[%mul3A_18] : memref<163840xi32, #tpu.memory_space<hbm>> -> memref<5120xi32, #tpu.memory_space<hbm>>
      tpu.enqueue_dma source(%dma_start3A_45 : memref<5120xi32, #tpu.memory_space<hbm>>) target(%arg7 : memref<5120xi32, #tpu.memory_space<vmem>>) target_semaphore(%run_scoped3A : memref<!tpu.dma_semaphore, #tpu.memory_space<semaphore_mem>>)
      %dma_wait3A = tpu.memref_slice %arg2[%mul3A_18] : memref<163840xi32, #tpu.memory_space<hbm>> -> memref<5120xi32, #tpu.memory_space<hbm>>
      %dma_wait3A_46 = tpu.memref_slice %arg2[%mul3A_18] : memref<163840xi32, #tpu.memory_space<hbm>> -> memref<5120xi32, #tpu.memory_space<hbm>>
      tpu.wait_dma2 semaphore(%run_scoped3A : memref<!tpu.dma_semaphore, #tpu.memory_space<semaphore_mem>>) src(%dma_wait3A_46 : memref<5120xi32, #tpu.memory_space<hbm>>) dst(%arg7 : memref<5120xi32, #tpu.memory_space<vmem>>)
      tpu.yield
    }) : () -> ()
    %scan3A = arith.constant 0 : i32
    %scan3A_41 = arith.constant 40 : i32
    %scan3A_42 = arith.addi %scan3A, %scan3A_41 : i32
    %scan3A_43 = arith.constant 1 : i32
    scf.for %scan3A_45 = %scan3A to %scan3A_42 step %scan3A_43  : i32 {
      %mul3A_46 = arith.constant 128 : i32
      %mul3A_47 = arith.muli %scan3A_45, %mul3A_46 : i32
      %add3A_48 = arith.constant 0 : i32
      %add3A_49 = arith.addi %add3A_48, %mul3A_47 : i32
      %scan3A_50 = arith.constant 0 : i32
      %scan3A_51 = arith.constant 8 : i32
      %scan3A_52 = arith.addi %scan3A_50, %scan3A_51 : i32
      %scan3A_53 = arith.constant 1 : i32
      scf.for %scan3A_77 = %scan3A_50 to %scan3A_52 step %scan3A_53  : i32 {
        %mul3A_78 = arith.constant 16 : i32
        %mul3A_79 = arith.muli %scan3A_77, %mul3A_78 : i32
        %add3A_80 = arith.constant 0 : i32
        %add3A_81 = arith.addi %add3A_80, %mul3A_79 : i32
        %add3A_82 = arith.addi %add3A_49, %add3A_81 : i32
        %get3A = arith.index_cast %add3A_82 : i32 to index
        %get3A_83 = tpu.vector_load %arg7[%get3A] {strides = array<i32>} : memref<5120xi32, #tpu.memory_space<vmem>>, vector<16xi32>,
        %shift_right_arithmetic3A = arith.constant 16 : i32
        %shift_right_arithmetic3A_84 = vector.broadcast %shift_right_arithmetic3A : i32 to vector<16xi32>
        %shift_right_arithmetic3A_85 = arith.shrsi %get3A_83, %shift_right_arithmetic3A_84 : vector<16xi32>
        %add3A_86 = vector.broadcast %mul3A_36 : i32 to vector<16xi32>
        %add3A_87 = arith.addi %shift_right_arithmetic3A_85, %add3A_86 : vector<16xi32>
        %swap3A = arith.index_cast %add3A_81 : i32 to index
        %swap3A_88 = tpu.vector_load %arg8[%swap3A] {strides = array<i32>} : memref<128xi32, #tpu.memory_space<vmem>>, vector<16xi32>,
        tpu.vector_store %arg8[%swap3A], %add3A_87 {strides = array<i32>} : memref<128xi32, #tpu.memory_space<vmem>>, vector<16xi32>,
        %and3A_89 = arith.constant 65535 : i32
        %and3A_90 = vector.broadcast %and3A_89 : i32 to vector<16xi32>
        %and3A_91 = arith.andi %get3A_83, %and3A_90 : vector<16xi32>
        %add3A_92 = vector.broadcast %mul3A_38 : i32 to vector<16xi32>
        %add3A_93 = arith.addi %and3A_91, %add3A_92 : vector<16xi32>
        %swap3A_94 = arith.index_cast %add3A_81 : i32 to index
        %swap3A_95 = tpu.vector_load %arg9[%swap3A_94] {strides = array<i32>} : memref<128xi32, #tpu.memory_space<vmem>>, vector<16xi32>,
        tpu.vector_store %arg9[%swap3A_94], %add3A_93 {strides = array<i32>} : memref<128xi32, #tpu.memory_space<vmem>>, vector<16xi32>,
        %add3A_96 = arith.addi %mul3A_34, %add3A_49 : i32
        %add3A_97 = arith.addi %add3A_96, %add3A_81 : i32
        %iota3A = tpu.iota {dimensions = array<i32: 0>} : vector<16xi32>
        %add3A_98 = vector.broadcast %add3A_97 : i32 to vector<16xi32>
        %add3A_99 = arith.addi %add3A_98, %iota3A : vector<16xi32>
        %jit3A_100 = arith.constant 20 : i32
        %eq3A_101 = arith.constant 0 : i32
        %eq3A_102 = arith.cmpi eq, %jit3A_100, %eq3A_101 : i32
        %jit3A_103 = arith.constant 1 : i32
        %select_n3A_104 = arith.select %eq3A_102, %jit3A_103, %jit3A_100 : i32
        %rem3A_105 = vector.broadcast %select_n3A_104 : i32 to vector<16xi32>
        %rem3A_106 = arith.remsi %add3A_99, %rem3A_105 : vector<16xi32>
        %ne3A_107 = arith.constant 0 : i32
        %ne3A_108 = vector.broadcast %ne3A_107 : i32 to vector<16xi32>
        %ne3A_109 = arith.cmpi ne, %rem3A_106, %ne3A_108 : vector<16xi32>
        %lt3A_110 = arith.constant 0 : i32
        %lt3A_111 = vector.broadcast %lt3A_110 : i32 to vector<16xi32>
        %lt3A_112 = arith.cmpi slt, %rem3A_106, %lt3A_111 : vector<16xi32>
        %lt3A_113 = arith.constant 0 : i32
        %lt3A_114 = arith.cmpi slt, %select_n3A_104, %lt3A_113 : i32
        %ne3A_115 = vector.broadcast %lt3A_114 : i1 to vector<16xi1>
        %ne3A_116 = vector.broadcast %ne3A_115 : vector<16xi1> to vector<16xi1>
        %ne3A_117 = arith.xori %lt3A_112, %ne3A_116 : vector<16xi1>
        %and3A_118 = arith.andi %ne3A_117, %ne3A_109 : vector<16xi1>
        %add3A_119 = vector.broadcast %select_n3A_104 : i32 to vector<16xi32>
        %add3A_120 = arith.addi %rem3A_106, %add3A_119 : vector<16xi32>
        %select_n3A_121 = arith.select %and3A_118, %add3A_120, %rem3A_106 : vector<16xi1>, vector<16xi32>
        %mul3A_122 = arith.constant 8192 : i32
        %mul3A_123 = vector.broadcast %mul3A_122 : i32 to vector<16xi32>
        %mul3A_124 = arith.muli %select_n3A_121, %mul3A_123 : vector<16xi32>
        %add3A_125 = vector.broadcast %mul3A_40 : i32 to vector<16xi32>
        %add3A_126 = arith.addi %mul3A_124, %add3A_125 : vector<16xi32>
        %jit3A_127 = arith.constant 20 : i32
        %div3A_128 = vector.broadcast %jit3A_127 : i32 to vector<16xi32>
        %div3A_129 = arith.divsi %add3A_99, %div3A_128 : vector<16xi32>
        %sign3A_130 = arith.constant 0 : i32
        %sign3A_131 = vector.broadcast %sign3A_130 : i32 to vector<16xi32>
        %sign3A_132 = arith.cmpi sgt, %add3A_99, %sign3A_131 : vector<16xi32>
        %sign3A_133 = arith.extui %sign3A_132 : vector<16xi1> to vector<16xi32>
        %sign3A_134 = arith.constant 0 : i32
        %sign3A_135 = vector.broadcast %sign3A_134 : i32 to vector<16xi32>
        %sign3A_136 = arith.cmpi slt, %add3A_99, %sign3A_135 : vector<16xi32>
        %sign3A_137 = arith.extui %sign3A_136 : vector<16xi1> to vector<16xi32>
        %sign3A_138 = arith.subi %sign3A_133, %sign3A_137 : vector<16xi32>
        %sign3A_139 = arith.constant 0 : i32
        %sign3A_140 = arith.cmpi sgt, %jit3A_127, %sign3A_139 : i32
        %sign3A_141 = arith.extui %sign3A_140 : i1 to i32
        %sign3A_142 = arith.constant 0 : i32
        %sign3A_143 = arith.cmpi slt, %jit3A_127, %sign3A_142 : i32
        %sign3A_144 = arith.extui %sign3A_143 : i1 to i32
        %sign3A_145 = arith.subi %sign3A_141, %sign3A_144 : i32
        %ne3A_146 = vector.broadcast %sign3A_145 : i32 to vector<16xi32>
        %ne3A_147 = arith.cmpi ne, %sign3A_138, %ne3A_146 : vector<16xi32>
        %rem3A_148 = vector.broadcast %jit3A_127 : i32 to vector<16xi32>
        %rem3A_149 = arith.remsi %add3A_99, %rem3A_148 : vector<16xi32>
        %ne3A_150 = arith.constant 0 : i32
        %ne3A_151 = vector.broadcast %ne3A_150 : i32 to vector<16xi32>
        %ne3A_152 = arith.cmpi ne, %rem3A_149, %ne3A_151 : vector<16xi32>
        %and3A_153 = arith.andi %ne3A_147, %ne3A_152 : vector<16xi1>
        %sub3A_154 = arith.constant 1 : i32
        %sub3A_155 = vector.broadcast %sub3A_154 : i32 to vector<16xi32>
        %sub3A_156 = arith.subi %div3A_129, %sub3A_155 : vector<16xi32>
        %select_n3A_157 = arith.select %and3A_153, %sub3A_156, %div3A_129 : vector<16xi1>, vector<16xi32>
        %add3A_158 = arith.addi %add3A_126, %select_n3A_157 : vector<16xi32>
        %swap3A_159 = arith.index_cast %add3A_81 : i32 to index
        %swap3A_160 = tpu.vector_load %arg10[%swap3A_159] {strides = array<i32>} : memref<128xi32, #tpu.memory_space<vmem>>, vector<16xi32>,
        tpu.vector_store %arg10[%swap3A_159], %add3A_158 {strides = array<i32>} : memref<128xi32, #tpu.memory_space<vmem>>, vector<16xi32>,
      }
      %scan3A_54 = arith.constant 8 : i32
      %dma_start3A = arith.constant 0 : i32
      %dma_start3A_55 = arith.constant 0 : i32
      %dma_start3A_56 = tpu.memref_slice %arg3[%dma_start3A, %dma_start3A_55] : memref<65536x48xf32, #tpu.memory_space<hbm>> -> memref<65536x48xf32, #tpu.memory_space<hbm>>
      tpu.enqueue_indirect_dma source(%dma_start3A_56 : memref<65536x48xf32, #tpu.memory_space<hbm>>) target(%arg11 : memref<128x48xf32, #tpu.memory_space<vmem>>) offsets(%arg8 : memref<128xi32, #tpu.memory_space<vmem>>) semaphore(%arg13 : memref<!tpu.dma_semaphore, #tpu.memory_space<semaphore_mem>>)
      %dma_start3A_57 = arith.constant 0 : i32
      %dma_start3A_58 = arith.constant 0 : i32
      %dma_start3A_59 = tpu.memref_slice %arg4[%dma_start3A_57, %dma_start3A_58] : memref<131072x48xf32, #tpu.memory_space<hbm>> -> memref<131072x48xf32, #tpu.memory_space<hbm>>
      tpu.enqueue_indirect_dma source(%dma_start3A_59 : memref<131072x48xf32, #tpu.memory_space<hbm>>) target(%arg12 : memref<128x48xf32, #tpu.memory_space<vmem>>) offsets(%arg9 : memref<128xi32, #tpu.memory_space<vmem>>) semaphore(%arg14 : memref<!tpu.dma_semaphore, #tpu.memory_space<semaphore_mem>>)
      %dma_wait3A = arith.constant 0 : i32
      %dma_wait3A_60 = arith.constant 0 : i32
      %dma_wait3A_61 = tpu.memref_slice %arg3[%dma_wait3A, %dma_wait3A_60] : memref<65536x48xf32, #tpu.memory_space<hbm>> -> memref<65536x48xf32, #tpu.memory_space<hbm>>
      tpu.wait_indirect_dma semaphore(%arg13 : memref<!tpu.dma_semaphore, #tpu.memory_space<semaphore_mem>>) src(%dma_wait3A_61 : memref<65536x48xf32, #tpu.memory_space<hbm>>) dst(%arg11 : memref<128x48xf32, #tpu.memory_space<vmem>>)
      %dma_wait3A_62 = arith.constant 0 : i32
      %dma_wait3A_63 = arith.constant 0 : i32
      %dma_wait3A_64 = tpu.memref_slice %arg4[%dma_wait3A_62, %dma_wait3A_63] : memref<131072x48xf32, #tpu.memory_space<hbm>> -> memref<131072x48xf32, #tpu.memory_space<hbm>>
      tpu.wait_indirect_dma semaphore(%arg14 : memref<!tpu.dma_semaphore, #tpu.memory_space<semaphore_mem>>) src(%dma_wait3A_64 : memref<131072x48xf32, #tpu.memory_space<hbm>>) dst(%arg12 : memref<128x48xf32, #tpu.memory_space<vmem>>)
      %dma_start3A_65 = arith.constant 0 : i32
      %dma_start3A_66 = arith.constant 0 : i32
      %dma_start3A_67 = tpu.memref_slice %arg5[%dma_start3A_65, %dma_start3A_66] : memref<163840x48xf32, #tpu.memory_space<hbm>> -> memref<163840x48xf32, #tpu.memory_space<hbm>>
      tpu.enqueue_indirect_dma source(%arg11 : memref<128x48xf32, #tpu.memory_space<vmem>>) target(%dma_start3A_67 : memref<163840x48xf32, #tpu.memory_space<hbm>>) offsets(%arg10 : memref<128xi32, #tpu.memory_space<vmem>>) semaphore(%arg13 : memref<!tpu.dma_semaphore, #tpu.memory_space<semaphore_mem>>)
      %dma_start3A_68 = arith.constant 0 : i32
      %dma_start3A_69 = arith.constant 0 : i32
      %dma_start3A_70 = tpu.memref_slice %arg6[%dma_start3A_68, %dma_start3A_69] : memref<163840x48xf32, #tpu.memory_space<hbm>> -> memref<163840x48xf32, #tpu.memory_space<hbm>>
      tpu.enqueue_indirect_dma source(%arg12 : memref<128x48xf32, #tpu.memory_space<vmem>>) target(%dma_start3A_70 : memref<163840x48xf32, #tpu.memory_space<hbm>>) offsets(%arg10 : memref<128xi32, #tpu.memory_space<vmem>>) semaphore(%arg14 : memref<!tpu.dma_semaphore, #tpu.memory_space<semaphore_mem>>)
      %dma_wait3A_71 = arith.constant 0 : i32
      %dma_wait3A_72 = arith.constant 0 : i32
      %dma_wait3A_73 = tpu.memref_slice %arg5[%dma_wait3A_71, %dma_wait3A_72] : memref<163840x48xf32, #tpu.memory_space<hbm>> -> memref<163840x48xf32, #tpu.memory_space<hbm>>
      tpu.wait_indirect_dma semaphore(%arg13 : memref<!tpu.dma_semaphore, #tpu.memory_space<semaphore_mem>>) src(%arg11 : memref<128x48xf32, #tpu.memory_space<vmem>>) dst(%dma_wait3A_73 : memref<163840x48xf32, #tpu.memory_space<hbm>>)
      %dma_wait3A_74 = arith.constant 0 : i32
      %dma_wait3A_75 = arith.constant 0 : i32
      %dma_wait3A_76 = tpu.memref_slice %arg6[%dma_wait3A_74, %dma_wait3A_75] : memref<163840x48xf32, #tpu.memory_space<hbm>> -> memref<163840x48xf32, #tpu.memory_space<hbm>>
      tpu.wait_indirect_dma semaphore(%arg14 : memref<!tpu.dma_semaphore, #tpu.memory_space<semaphore_mem>>) src(%arg12 : memref<128x48xf32, #tpu.memory_space<vmem>>) dst(%dma_wait3A_76 : memref<163840x48xf32, #tpu.memory_space<hbm>>)
    }
    %scan3A_44 = arith.constant 40 : i32
    return
  }
}

module attributes {stable_mosaic.version = 14 : i64} {
  func.func @_pk_body(%arg0: memref<4x256x36xf32, #tpu.memory_space<vmem>>, %arg1: memref<4x256x36xf32, #tpu.memory_space<vmem>>, %arg2: memref<36x144xf32, #tpu.memory_space<vmem>>, %arg3: memref<1x36xf32, #tpu.memory_space<vmem>>, %arg4: memref<8x256x36xf32, #tpu.memory_space<vmem>>, %arg5: memref<4x256x36xf32, #tpu.memory_space<vmem>>) attributes {dimension_semantics = [], scalar_prefetch = 0 : i64, scratch_operands = 0 : i64, tpu.core_type = #tpu.core_type<tc>} {
    %get3A = arith.constant 0 : index
    %get3A_0 = arith.constant 0 : index
    %get3A_1 = arith.constant 0 : index
    %get3A_2 = vector.load %arg0[%get3A, %get3A_0, %get3A_1] : memref<4x256x36xf32, #tpu.memory_space<vmem>>, vector<4x256x36xf32>
    %get3A_3 = arith.constant 0 : index
    %get3A_4 = arith.constant 0 : index
    %get3A_5 = arith.constant 0 : index
    %get3A_6 = vector.load %arg1[%get3A_3, %get3A_4, %get3A_5] : memref<4x256x36xf32, #tpu.memory_space<vmem>>, vector<4x256x36xf32>
    %get3A_7 = arith.constant 0 : index
    %get3A_8 = arith.constant 0 : index
    %get3A_9 = vector.load %arg2[%get3A_7, %get3A_8] : memref<36x144xf32, #tpu.memory_space<vmem>>, vector<36x36xf32>
    %slice3A = vector.extract_strided_slice %get3A_2 {offsets = [0, 0, 0], sizes = [1, 256, 36], strides = [1, 1, 1]} : vector<4x256x36xf32> to vector<1x256x36xf32>
    %squeeze3A = vector.shape_cast %slice3A : vector<1x256x36xf32> to vector<256x36xf32>
    %dot_general3A = arith.constant dense<0.000000e+00> : vector<256x36xf32>
    %dot_general3A_10 = tpu.matmul %squeeze3A, %get3A_9, %dot_general3A {dimension_numbers = #tpu.dot_dimension_numbers<[1], [1], [0], [0], [0, 0, 1, 0], [], []>, transpose_lhs_hint = false} : vector<256x36xf32>, vector<36x36xf32>, vector<256x36xf32> -> vector<256x36xf32>
    %get3A_11 = arith.constant 0 : index
    %get3A_12 = arith.constant 0 : index
    %get3A_13 = vector.load %arg3[%get3A_11, %get3A_12] : memref<1x36xf32, #tpu.memory_space<vmem>>, vector<1x36xf32>
    %add3A = vector.broadcast %get3A_13 : vector<1x36xf32> to vector<256x36xf32>
    %add3A_14 = arith.addf %dot_general3A_10, %add3A : vector<256x36xf32>
    %swap3A = arith.constant 0 : index
    %swap3A_15 = arith.constant 0 : index
    %swap3A_16 = arith.constant 0 : index
    %swap3A_17 = vector.load %arg4[%swap3A, %swap3A_15, %swap3A_16] : memref<8x256x36xf32, #tpu.memory_space<vmem>>, vector<1x256x36xf32>
    %swap3A_18 = vector.shape_cast %swap3A_17 : vector<1x256x36xf32> to vector<256x36xf32>
    %swap3A_19 = vector.shape_cast %add3A_14 : vector<256x36xf32> to vector<1x256x36xf32>
    tpu.vector_store %arg4[%swap3A, %swap3A_15, %swap3A_16], %swap3A_19 {strides = array<i32>} : memref<8x256x36xf32, #tpu.memory_space<vmem>>, vector<1x256x36xf32>,
    %get3A_20 = arith.constant 0 : index
    %get3A_21 = arith.constant 36 : index
    %get3A_22 = vector.load %arg2[%get3A_20, %get3A_21] : memref<36x144xf32, #tpu.memory_space<vmem>>, vector<36x36xf32>
    %slice3A_23 = vector.extract_strided_slice %get3A_2 {offsets = [1, 0, 0], sizes = [1, 256, 36], strides = [1, 1, 1]} : vector<4x256x36xf32> to vector<1x256x36xf32>
    %squeeze3A_24 = vector.shape_cast %slice3A_23 : vector<1x256x36xf32> to vector<256x36xf32>
    %dot_general3A_25 = arith.constant dense<0.000000e+00> : vector<256x36xf32>
    %dot_general3A_26 = tpu.matmul %squeeze3A_24, %get3A_22, %dot_general3A_25 {dimension_numbers = #tpu.dot_dimension_numbers<[1], [1], [0], [0], [0, 0, 1, 0], [], []>, transpose_lhs_hint = false} : vector<256x36xf32>, vector<36x36xf32>, vector<256x36xf32> -> vector<256x36xf32>
    %swap3A_27 = arith.constant 1 : index
    %swap3A_28 = arith.constant 0 : index
    %swap3A_29 = arith.constant 0 : index
    %swap3A_30 = vector.load %arg4[%swap3A_27, %swap3A_28, %swap3A_29] : memref<8x256x36xf32, #tpu.memory_space<vmem>>, vector<1x256x36xf32>
    %swap3A_31 = vector.shape_cast %swap3A_30 : vector<1x256x36xf32> to vector<256x36xf32>
    %swap3A_32 = vector.shape_cast %dot_general3A_26 : vector<256x36xf32> to vector<1x256x36xf32>
    tpu.vector_store %arg4[%swap3A_27, %swap3A_28, %swap3A_29], %swap3A_32 {strides = array<i32>} : memref<8x256x36xf32, #tpu.memory_space<vmem>>, vector<1x256x36xf32>,
    %get3A_33 = arith.constant 0 : index
    %get3A_34 = arith.constant 72 : index
    %get3A_35 = vector.load %arg2[%get3A_33, %get3A_34] : memref<36x144xf32, #tpu.memory_space<vmem>>, vector<36x36xf32>
    %slice3A_36 = vector.extract_strided_slice %get3A_2 {offsets = [2, 0, 0], sizes = [1, 256, 36], strides = [1, 1, 1]} : vector<4x256x36xf32> to vector<1x256x36xf32>
    %squeeze3A_37 = vector.shape_cast %slice3A_36 : vector<1x256x36xf32> to vector<256x36xf32>
    %dot_general3A_38 = arith.constant dense<0.000000e+00> : vector<256x36xf32>
    %dot_general3A_39 = tpu.matmul %squeeze3A_37, %get3A_35, %dot_general3A_38 {dimension_numbers = #tpu.dot_dimension_numbers<[1], [1], [0], [0], [0, 0, 1, 0], [], []>, transpose_lhs_hint = false} : vector<256x36xf32>, vector<36x36xf32>, vector<256x36xf32> -> vector<256x36xf32>
    %swap3A_40 = arith.constant 2 : index
    %swap3A_41 = arith.constant 0 : index
    %swap3A_42 = arith.constant 0 : index
    %swap3A_43 = vector.load %arg4[%swap3A_40, %swap3A_41, %swap3A_42] : memref<8x256x36xf32, #tpu.memory_space<vmem>>, vector<1x256x36xf32>
    %swap3A_44 = vector.shape_cast %swap3A_43 : vector<1x256x36xf32> to vector<256x36xf32>
    %swap3A_45 = vector.shape_cast %dot_general3A_39 : vector<256x36xf32> to vector<1x256x36xf32>
    tpu.vector_store %arg4[%swap3A_40, %swap3A_41, %swap3A_42], %swap3A_45 {strides = array<i32>} : memref<8x256x36xf32, #tpu.memory_space<vmem>>, vector<1x256x36xf32>,
    %get3A_46 = arith.constant 0 : index
    %get3A_47 = arith.constant 108 : index
    %get3A_48 = vector.load %arg2[%get3A_46, %get3A_47] : memref<36x144xf32, #tpu.memory_space<vmem>>, vector<36x36xf32>
    %slice3A_49 = vector.extract_strided_slice %get3A_2 {offsets = [3, 0, 0], sizes = [1, 256, 36], strides = [1, 1, 1]} : vector<4x256x36xf32> to vector<1x256x36xf32>
    %squeeze3A_50 = vector.shape_cast %slice3A_49 : vector<1x256x36xf32> to vector<256x36xf32>
    %dot_general3A_51 = arith.constant dense<0.000000e+00> : vector<256x36xf32>
    %dot_general3A_52 = tpu.matmul %squeeze3A_50, %get3A_48, %dot_general3A_51 {dimension_numbers = #tpu.dot_dimension_numbers<[1], [1], [0], [0], [0, 0, 1, 0], [], []>, transpose_lhs_hint = false} : vector<256x36xf32>, vector<36x36xf32>, vector<256x36xf32> -> vector<256x36xf32>
    %swap3A_53 = arith.constant 3 : index
    %swap3A_54 = arith.constant 0 : index
    %swap3A_55 = arith.constant 0 : index
    %swap3A_56 = vector.load %arg4[%swap3A_53, %swap3A_54, %swap3A_55] : memref<8x256x36xf32, #tpu.memory_space<vmem>>, vector<1x256x36xf32>
    %swap3A_57 = vector.shape_cast %swap3A_56 : vector<1x256x36xf32> to vector<256x36xf32>
    %swap3A_58 = vector.shape_cast %dot_general3A_52 : vector<256x36xf32> to vector<1x256x36xf32>
    tpu.vector_store %arg4[%swap3A_53, %swap3A_54, %swap3A_55], %swap3A_58 {strides = array<i32>} : memref<8x256x36xf32, #tpu.memory_space<vmem>>, vector<1x256x36xf32>,
    %get3A_59 = arith.constant 0 : index
    %get3A_60 = arith.constant 0 : index
    %get3A_61 = vector.load %arg2[%get3A_59, %get3A_60] : memref<36x144xf32, #tpu.memory_space<vmem>>, vector<36x36xf32>
    %slice3A_62 = vector.extract_strided_slice %get3A_6 {offsets = [0, 0, 0], sizes = [1, 256, 36], strides = [1, 1, 1]} : vector<4x256x36xf32> to vector<1x256x36xf32>
    %squeeze3A_63 = vector.shape_cast %slice3A_62 : vector<1x256x36xf32> to vector<256x36xf32>
    %dot_general3A_64 = arith.constant dense<0.000000e+00> : vector<256x36xf32>
    %dot_general3A_65 = tpu.matmul %squeeze3A_63, %get3A_61, %dot_general3A_64 {dimension_numbers = #tpu.dot_dimension_numbers<[1], [1], [0], [0], [0, 0, 1, 0], [], []>, transpose_lhs_hint = false} : vector<256x36xf32>, vector<36x36xf32>, vector<256x36xf32> -> vector<256x36xf32>
    %swap3A_66 = arith.constant 0 : index
    %swap3A_67 = arith.constant 0 : index
    %swap3A_68 = arith.constant 0 : index
    %swap3A_69 = vector.load %arg5[%swap3A_66, %swap3A_67, %swap3A_68] : memref<4x256x36xf32, #tpu.memory_space<vmem>>, vector<1x256x36xf32>
    %swap3A_70 = vector.shape_cast %swap3A_69 : vector<1x256x36xf32> to vector<256x36xf32>
    %swap3A_71 = vector.shape_cast %dot_general3A_65 : vector<256x36xf32> to vector<1x256x36xf32>
    tpu.vector_store %arg5[%swap3A_66, %swap3A_67, %swap3A_68], %swap3A_71 {strides = array<i32>} : memref<4x256x36xf32, #tpu.memory_space<vmem>>, vector<1x256x36xf32>,
    %get3A_72 = arith.constant 0 : index
    %get3A_73 = arith.constant 0 : index
    %get3A_74 = vector.load %arg3[%get3A_72, %get3A_73] : memref<1x36xf32, #tpu.memory_space<vmem>>, vector<1x36xf32>
    %add3A_75 = vector.broadcast %get3A_74 : vector<1x36xf32> to vector<256x36xf32>
    %add3A_76 = arith.addf %dot_general3A_65, %add3A_75 : vector<256x36xf32>
    %swap3A_77 = arith.constant 4 : index
    %swap3A_78 = arith.constant 0 : index
    %swap3A_79 = arith.constant 0 : index
    %swap3A_80 = vector.load %arg4[%swap3A_77, %swap3A_78, %swap3A_79] : memref<8x256x36xf32, #tpu.memory_space<vmem>>, vector<1x256x36xf32>
    %swap3A_81 = vector.shape_cast %swap3A_80 : vector<1x256x36xf32> to vector<256x36xf32>
    %swap3A_82 = vector.shape_cast %add3A_76 : vector<256x36xf32> to vector<1x256x36xf32>
    tpu.vector_store %arg4[%swap3A_77, %swap3A_78, %swap3A_79], %swap3A_82 {strides = array<i32>} : memref<8x256x36xf32, #tpu.memory_space<vmem>>, vector<1x256x36xf32>,
    %get3A_83 = arith.constant 0 : index
    %get3A_84 = arith.constant 36 : index
    %get3A_85 = vector.load %arg2[%get3A_83, %get3A_84] : memref<36x144xf32, #tpu.memory_space<vmem>>, vector<36x36xf32>
    %slice3A_86 = vector.extract_strided_slice %get3A_6 {offsets = [1, 0, 0], sizes = [1, 256, 36], strides = [1, 1, 1]} : vector<4x256x36xf32> to vector<1x256x36xf32>
    %squeeze3A_87 = vector.shape_cast %slice3A_86 : vector<1x256x36xf32> to vector<256x36xf32>
    %dot_general3A_88 = arith.constant dense<0.000000e+00> : vector<256x36xf32>
    %dot_general3A_89 = tpu.matmul %squeeze3A_87, %get3A_85, %dot_general3A_88 {dimension_numbers = #tpu.dot_dimension_numbers<[1], [1], [0], [0], [0, 0, 1, 0], [], []>, transpose_lhs_hint = false} : vector<256x36xf32>, vector<36x36xf32>, vector<256x36xf32> -> vector<256x36xf32>
    %swap3A_90 = arith.constant 1 : index
    %swap3A_91 = arith.constant 0 : index
    %swap3A_92 = arith.constant 0 : index
    %swap3A_93 = vector.load %arg5[%swap3A_90, %swap3A_91, %swap3A_92] : memref<4x256x36xf32, #tpu.memory_space<vmem>>, vector<1x256x36xf32>
    %swap3A_94 = vector.shape_cast %swap3A_93 : vector<1x256x36xf32> to vector<256x36xf32>
    %swap3A_95 = vector.shape_cast %dot_general3A_89 : vector<256x36xf32> to vector<1x256x36xf32>
    tpu.vector_store %arg5[%swap3A_90, %swap3A_91, %swap3A_92], %swap3A_95 {strides = array<i32>} : memref<4x256x36xf32, #tpu.memory_space<vmem>>, vector<1x256x36xf32>,
    %swap3A_96 = arith.constant 5 : index
    %swap3A_97 = arith.constant 0 : index
    %swap3A_98 = arith.constant 0 : index
    %swap3A_99 = vector.load %arg4[%swap3A_96, %swap3A_97, %swap3A_98] : memref<8x256x36xf32, #tpu.memory_space<vmem>>, vector<1x256x36xf32>
    %swap3A_100 = vector.shape_cast %swap3A_99 : vector<1x256x36xf32> to vector<256x36xf32>
    %swap3A_101 = vector.shape_cast %dot_general3A_89 : vector<256x36xf32> to vector<1x256x36xf32>
    tpu.vector_store %arg4[%swap3A_96, %swap3A_97, %swap3A_98], %swap3A_101 {strides = array<i32>} : memref<8x256x36xf32, #tpu.memory_space<vmem>>, vector<1x256x36xf32>,
    %get3A_102 = arith.constant 0 : index
    %get3A_103 = arith.constant 72 : index
    %get3A_104 = vector.load %arg2[%get3A_102, %get3A_103] : memref<36x144xf32, #tpu.memory_space<vmem>>, vector<36x36xf32>
    %slice3A_105 = vector.extract_strided_slice %get3A_6 {offsets = [2, 0, 0], sizes = [1, 256, 36], strides = [1, 1, 1]} : vector<4x256x36xf32> to vector<1x256x36xf32>
    %squeeze3A_106 = vector.shape_cast %slice3A_105 : vector<1x256x36xf32> to vector<256x36xf32>
    %dot_general3A_107 = arith.constant dense<0.000000e+00> : vector<256x36xf32>
    %dot_general3A_108 = tpu.matmul %squeeze3A_106, %get3A_104, %dot_general3A_107 {dimension_numbers = #tpu.dot_dimension_numbers<[1], [1], [0], [0], [0, 0, 1, 0], [], []>, transpose_lhs_hint = false} : vector<256x36xf32>, vector<36x36xf32>, vector<256x36xf32> -> vector<256x36xf32>
    %swap3A_109 = arith.constant 2 : index
    %swap3A_110 = arith.constant 0 : index
    %swap3A_111 = arith.constant 0 : index
    %swap3A_112 = vector.load %arg5[%swap3A_109, %swap3A_110, %swap3A_111] : memref<4x256x36xf32, #tpu.memory_space<vmem>>, vector<1x256x36xf32>
    %swap3A_113 = vector.shape_cast %swap3A_112 : vector<1x256x36xf32> to vector<256x36xf32>
    %swap3A_114 = vector.shape_cast %dot_general3A_108 : vector<256x36xf32> to vector<1x256x36xf32>
    tpu.vector_store %arg5[%swap3A_109, %swap3A_110, %swap3A_111], %swap3A_114 {strides = array<i32>} : memref<4x256x36xf32, #tpu.memory_space<vmem>>, vector<1x256x36xf32>,
    %swap3A_115 = arith.constant 6 : index
    %swap3A_116 = arith.constant 0 : index
    %swap3A_117 = arith.constant 0 : index
    %swap3A_118 = vector.load %arg4[%swap3A_115, %swap3A_116, %swap3A_117] : memref<8x256x36xf32, #tpu.memory_space<vmem>>, vector<1x256x36xf32>
    %swap3A_119 = vector.shape_cast %swap3A_118 : vector<1x256x36xf32> to vector<256x36xf32>
    %swap3A_120 = vector.shape_cast %dot_general3A_108 : vector<256x36xf32> to vector<1x256x36xf32>
    tpu.vector_store %arg4[%swap3A_115, %swap3A_116, %swap3A_117], %swap3A_120 {strides = array<i32>} : memref<8x256x36xf32, #tpu.memory_space<vmem>>, vector<1x256x36xf32>,
    %get3A_121 = arith.constant 0 : index
    %get3A_122 = arith.constant 108 : index
    %get3A_123 = vector.load %arg2[%get3A_121, %get3A_122] : memref<36x144xf32, #tpu.memory_space<vmem>>, vector<36x36xf32>
    %slice3A_124 = vector.extract_strided_slice %get3A_6 {offsets = [3, 0, 0], sizes = [1, 256, 36], strides = [1, 1, 1]} : vector<4x256x36xf32> to vector<1x256x36xf32>
    %squeeze3A_125 = vector.shape_cast %slice3A_124 : vector<1x256x36xf32> to vector<256x36xf32>
    %dot_general3A_126 = arith.constant dense<0.000000e+00> : vector<256x36xf32>
    %dot_general3A_127 = tpu.matmul %squeeze3A_125, %get3A_123, %dot_general3A_126 {dimension_numbers = #tpu.dot_dimension_numbers<[1], [1], [0], [0], [0, 0, 1, 0], [], []>, transpose_lhs_hint = false} : vector<256x36xf32>, vector<36x36xf32>, vector<256x36xf32> -> vector<256x36xf32>
    %swap3A_128 = arith.constant 3 : index
    %swap3A_129 = arith.constant 0 : index
    %swap3A_130 = arith.constant 0 : index
    %swap3A_131 = vector.load %arg5[%swap3A_128, %swap3A_129, %swap3A_130] : memref<4x256x36xf32, #tpu.memory_space<vmem>>, vector<1x256x36xf32>
    %swap3A_132 = vector.shape_cast %swap3A_131 : vector<1x256x36xf32> to vector<256x36xf32>
    %swap3A_133 = vector.shape_cast %dot_general3A_127 : vector<256x36xf32> to vector<1x256x36xf32>
    tpu.vector_store %arg5[%swap3A_128, %swap3A_129, %swap3A_130], %swap3A_133 {strides = array<i32>} : memref<4x256x36xf32, #tpu.memory_space<vmem>>, vector<1x256x36xf32>,
    %swap3A_134 = arith.constant 7 : index
    %swap3A_135 = arith.constant 0 : index
    %swap3A_136 = arith.constant 0 : index
    %swap3A_137 = vector.load %arg4[%swap3A_134, %swap3A_135, %swap3A_136] : memref<8x256x36xf32, #tpu.memory_space<vmem>>, vector<1x256x36xf32>
    %swap3A_138 = vector.shape_cast %swap3A_137 : vector<1x256x36xf32> to vector<256x36xf32>
    %swap3A_139 = vector.shape_cast %dot_general3A_127 : vector<256x36xf32> to vector<1x256x36xf32>
    tpu.vector_store %arg4[%swap3A_134, %swap3A_135, %swap3A_136], %swap3A_139 {strides = array<i32>} : memref<8x256x36xf32, #tpu.memory_space<vmem>>, vector<1x256x36xf32>,
    return
  }
}

module attributes {stable_mosaic.version = 14 : i64} {
  func.func @_t23_body(%arg0: i32, %arg1: i32, %arg2: memref<8x256x36xf32, #tpu.memory_space<vmem>>, %arg3: memref<8192x48xf32, #tpu.memory_space<vmem>>) attributes {dimension_semantics = [#tpu.dimension_semantics<arbitrary>, #tpu.dimension_semantics<arbitrary>], iteration_bounds = array<i64: 2, 8>, scalar_prefetch = 0 : i64, scratch_operands = 0 : i64, tpu.core_type = #tpu.core_type<tc>, window_params = [{pipeline_mode = #tpu.pipeline_mode<synchronous>, transform_indices = @transform_0, window_bounds = array<i64: 8, 256, 36>}, {transform_indices = @transform_1, window_bounds = array<i64: 8192, 48>}]} {
    %mul3A = arith.constant 4 : i32
    %mul3A_0 = arith.muli %arg0, %mul3A : i32
    %add3A = arith.constant 2 : i32
    %add3A_1 = arith.addi %mul3A_0, %add3A : i32
    %mul3A_2 = arith.constant 32 : i32
    %mul3A_3 = arith.muli %arg1, %mul3A_2 : i32
    %get3A = arith.index_cast %add3A_1 : i32 to index
    %get3A_4 = arith.index_cast %mul3A_3 : i32 to index
    %get3A_5 = arith.constant 0 : index
    %get3A_6 = vector.load %arg2[%get3A, %get3A_4, %get3A_5] : memref<8x256x36xf32, #tpu.memory_space<vmem>>, vector<1x32x36xf32>
    %get3A_7 = vector.shape_cast %get3A_6 : vector<1x32x36xf32> to vector<32x36xf32>
    %broadcast_in_dim3A = arith.constant 0.000000e+00 : f32
    %broadcast_in_dim3A_8 = vector.broadcast %broadcast_in_dim3A : f32 to vector<32x12xf32>
    %concatenate3A = tpu.concatenate %get3A_7, %broadcast_in_dim3A_8 in 1 : vector<32x36xf32>, vector<32x12xf32> -> vector<32x48xf32>
    %mul3A_9 = arith.constant 4 : i32
    %mul3A_10 = arith.muli %arg0, %mul3A_9 : i32
    %add3A_11 = arith.constant 3 : i32
    %add3A_12 = arith.addi %mul3A_10, %add3A_11 : i32
    %get3A_13 = arith.index_cast %add3A_12 : i32 to index
    %get3A_14 = arith.constant 0 : index
    %get3A_15 = arith.constant 0 : index
    %get3A_16 = vector.load %arg2[%get3A_13, %get3A_14, %get3A_15] : memref<8x256x36xf32, #tpu.memory_space<vmem>>, vector<1x256x36xf32>
    %get3A_17 = vector.shape_cast %get3A_16 : vector<1x256x36xf32> to vector<256x36xf32>
    %broadcast_in_dim3A_18 = arith.constant 0.000000e+00 : f32
    %broadcast_in_dim3A_19 = vector.broadcast %broadcast_in_dim3A_18 : f32 to vector<256x12xf32>
    %concatenate3A_20 = tpu.concatenate %get3A_17, %broadcast_in_dim3A_19 in 1 : vector<256x36xf32>, vector<256x12xf32> -> vector<256x48xf32>
    %broadcast_in_dim3A_21 = vector.shape_cast %concatenate3A : vector<32x48xf32> to vector<32x1x48xf32>
    %broadcast_in_dim3A_22 = vector.shape_cast %concatenate3A_20 : vector<256x48xf32> to vector<1x256x48xf32>
    %add3A_23 = vector.broadcast %broadcast_in_dim3A_21 : vector<32x1x48xf32> to vector<32x256x48xf32>
    %add3A_24 = vector.broadcast %broadcast_in_dim3A_22 : vector<1x256x48xf32> to vector<32x256x48xf32>
    %add3A_25 = arith.addf %add3A_23, %add3A_24 : vector<32x256x48xf32>
    %reshape3A = vector.shape_cast %add3A_25 : vector<32x256x48xf32> to vector<8192x48xf32>
    %swap3A = arith.constant 0 : index
    %swap3A_26 = arith.constant 0 : index
    %swap3A_27 = vector.load %arg3[%swap3A, %swap3A_26] : memref<8192x48xf32, #tpu.memory_space<vmem>>, vector<8192x48xf32>
    tpu.vector_store %arg3[%swap3A, %swap3A_26], %reshape3A {strides = array<i32>} : memref<8192x48xf32, #tpu.memory_space<vmem>>, vector<8192x48xf32>,
    return
  }
  func.func @transform_0(%arg0: i32, %arg1: i32) -> (i32, i32, i32) {
    %c0_i32 = arith.constant 0 : i32
    %c0_i32_0 = arith.constant 0 : i32
    %c0_i32_1 = arith.constant 0 : i32
    %c0_i32_2 = arith.constant 0 : i32
    return %c0_i32, %c0_i32_0, %c0_i32_1 : i32, i32, i32
  }
  func.func @transform_1(%arg0: i32, %arg1: i32) -> (i32, i32) {
    %mul3A = arith.constant 8 : i32
    %mul3A_0 = arith.muli %arg0, %mul3A : i32
    %add3A = arith.addi %mul3A_0, %arg1 : i32
    %c0_i32 = arith.constant 0 : i32
    %c0_i32_1 = arith.constant 0 : i32
    return %add3A, %c0_i32 : i32, i32
  }
}

module attributes {stable_mosaic.version = 14 : i64} {
  func.func @_t01_body(%arg0: i32, %arg1: i32, %arg2: memref<8x256x36xf32, #tpu.memory_space<vmem>>, %arg3: memref<8192x48xf32, #tpu.memory_space<vmem>>) attributes {dimension_semantics = [#tpu.dimension_semantics<arbitrary>, #tpu.dimension_semantics<arbitrary>], iteration_bounds = array<i64: 2, 4>, scalar_prefetch = 0 : i64, scratch_operands = 0 : i64, tpu.core_type = #tpu.core_type<tc>, window_params = [{pipeline_mode = #tpu.pipeline_mode<synchronous>, transform_indices = @transform_0, window_bounds = array<i64: 8, 256, 36>}, {transform_indices = @transform_1, window_bounds = array<i64: 8192, 48>}]} {
    %mul3A = arith.constant 4 : i32
    %mul3A_0 = arith.muli %arg0, %mul3A : i32
    %mul3A_1 = arith.constant 32 : i32
    %mul3A_2 = arith.muli %arg1, %mul3A_1 : i32
    %get3A = arith.index_cast %mul3A_0 : i32 to index
    %get3A_3 = arith.index_cast %mul3A_2 : i32 to index
    %get3A_4 = arith.constant 0 : index
    %get3A_5 = vector.load %arg2[%get3A, %get3A_3, %get3A_4] : memref<8x256x36xf32, #tpu.memory_space<vmem>>, vector<1x32x36xf32>
    %get3A_6 = vector.shape_cast %get3A_5 : vector<1x32x36xf32> to vector<32x36xf32>
    %broadcast_in_dim3A = arith.constant 0.000000e+00 : f32
    %broadcast_in_dim3A_7 = vector.broadcast %broadcast_in_dim3A : f32 to vector<32x12xf32>
    %concatenate3A = tpu.concatenate %get3A_6, %broadcast_in_dim3A_7 in 1 : vector<32x36xf32>, vector<32x12xf32> -> vector<32x48xf32>
    %mul3A_8 = arith.constant 4 : i32
    %mul3A_9 = arith.muli %arg0, %mul3A_8 : i32
    %add3A = arith.constant 1 : i32
    %add3A_10 = arith.addi %mul3A_9, %add3A : i32
    %get3A_11 = arith.index_cast %add3A_10 : i32 to index
    %get3A_12 = arith.constant 0 : index
    %get3A_13 = arith.constant 0 : index
    %get3A_14 = vector.load %arg2[%get3A_11, %get3A_12, %get3A_13] : memref<8x256x36xf32, #tpu.memory_space<vmem>>, vector<1x256x36xf32>
    %get3A_15 = vector.shape_cast %get3A_14 : vector<1x256x36xf32> to vector<256x36xf32>
    %broadcast_in_dim3A_16 = arith.constant 0.000000e+00 : f32
    %broadcast_in_dim3A_17 = vector.broadcast %broadcast_in_dim3A_16 : f32 to vector<256x12xf32>
    %concatenate3A_18 = tpu.concatenate %get3A_15, %broadcast_in_dim3A_17 in 1 : vector<256x36xf32>, vector<256x12xf32> -> vector<256x48xf32>
    %broadcast_in_dim3A_19 = vector.shape_cast %concatenate3A : vector<32x48xf32> to vector<32x1x48xf32>
    %broadcast_in_dim3A_20 = vector.shape_cast %concatenate3A_18 : vector<256x48xf32> to vector<1x256x48xf32>
    %add3A_21 = vector.broadcast %broadcast_in_dim3A_19 : vector<32x1x48xf32> to vector<32x256x48xf32>
    %add3A_22 = vector.broadcast %broadcast_in_dim3A_20 : vector<1x256x48xf32> to vector<32x256x48xf32>
    %add3A_23 = arith.addf %add3A_21, %add3A_22 : vector<32x256x48xf32>
    %reshape3A = vector.shape_cast %add3A_23 : vector<32x256x48xf32> to vector<8192x48xf32>
    %swap3A = arith.constant 0 : index
    %swap3A_24 = arith.constant 0 : index
    %swap3A_25 = vector.load %arg3[%swap3A, %swap3A_24] : memref<8192x48xf32, #tpu.memory_space<vmem>>, vector<8192x48xf32>
    tpu.vector_store %arg3[%swap3A, %swap3A_24], %reshape3A {strides = array<i32>} : memref<8192x48xf32, #tpu.memory_space<vmem>>, vector<8192x48xf32>,
    return
  }
  func.func @transform_0(%arg0: i32, %arg1: i32) -> (i32, i32, i32) {
    %c0_i32 = arith.constant 0 : i32
    %c0_i32_0 = arith.constant 0 : i32
    %c0_i32_1 = arith.constant 0 : i32
    %c0_i32_2 = arith.constant 0 : i32
    return %c0_i32, %c0_i32_0, %c0_i32_1 : i32, i32, i32
  }
  func.func @transform_1(%arg0: i32, %arg1: i32) -> (i32, i32) {
    %mul3A = arith.constant 4 : i32
    %mul3A_0 = arith.muli %arg0, %mul3A : i32
    %add3A = arith.addi %mul3A_0, %arg1 : i32
    %c0_i32 = arith.constant 0 : i32
    %c0_i32_1 = arith.constant 0 : i32
    return %add3A, %c0_i32 : i32, i32
  }
}

module attributes {stable_mosaic.version = 14 : i64} {
  func.func @_dense_body(%arg0: i32, %arg1: memref<20x256x48xf32, #tpu.memory_space<vmem>>, %arg2: memref<20x256x48xf32, #tpu.memory_space<vmem>>, %arg3: memref<20x256x48xf32, #tpu.memory_space<vmem>>, %arg4: memref<20x256x48xf32, #tpu.memory_space<vmem>>, %arg5: memref<960x700xf32, #tpu.memory_space<vmem>>, %arg6: memref<960x700xf32, #tpu.memory_space<vmem>>, %arg7: memref<1x700xf32, #tpu.memory_space<vmem>>, %arg8: memref<700x170xf32, #tpu.memory_space<vmem>>, %arg9: memref<1x170xf32, #tpu.memory_space<vmem>>, %arg10: memref<170x48xf32, #tpu.memory_space<vmem>>, %arg11: memref<1x48xf32, #tpu.memory_space<vmem>>, %arg12: memref<4x24x256xf32, #tpu.memory_space<vmem>>, %arg13: memref<4x256xf32, #tpu.memory_space<vmem>>, %arg14: memref<4x256x36xf32, #tpu.memory_space<vmem>>, %arg15: memref<1x36xf32, #tpu.memory_space<vmem>>, %arg16: memref<108x10xf32, #tpu.memory_space<vmem>>, %arg17: memref<1x10xf32, #tpu.memory_space<vmem>>, %arg18: memref<10x2xf32, #tpu.memory_space<vmem>>, %arg19: memref<1x2xf32, #tpu.memory_space<vmem>>, %arg20: memref<256x256xf32, #tpu.memory_space<vmem>>, %arg21: memref<256x256xf32, #tpu.memory_space<vmem>>, %arg22: memref<256x256xf32, #tpu.memory_space<vmem>>, %arg23: memref<256x256xf32, #tpu.memory_space<vmem>>, %arg24: memref<256x256xf32, #tpu.memory_space<vmem>>, %arg25: memref<256x256xf32, #tpu.memory_space<vmem>>, %arg26: memref<256x256xf32, #tpu.memory_space<vmem>>, %arg27: memref<256x256xf32, #tpu.memory_space<vmem>>, %arg28: memref<256x2xf32, #tpu.memory_space<vmem>>) attributes {dimension_semantics = [#tpu.dimension_semantics<arbitrary>], iteration_bounds = array<i64: 16>, scalar_prefetch = 0 : i64, scratch_operands = 0 : i64, tpu.core_type = #tpu.core_type<tc>, window_params = [{transform_indices = @transform_0, window_bounds = array<i64: 20, 256, 48>}, {transform_indices = @transform_1, window_bounds = array<i64: 20, 256, 48>}, {transform_indices = @transform_2, window_bounds = array<i64: 20, 256, 48>}, {transform_indices = @transform_3, window_bounds = array<i64: 20, 256, 48>}, {pipeline_mode = #tpu.pipeline_mode<synchronous>, transform_indices = @transform_4, window_bounds = array<i64: 960, 700>}, {pipeline_mode = #tpu.pipeline_mode<synchronous>, transform_indices = @transform_5, window_bounds = array<i64: 960, 700>}, {pipeline_mode = #tpu.pipeline_mode<synchronous>, transform_indices = @transform_6, window_bounds = array<i64: 1, 700>}, {pipeline_mode = #tpu.pipeline_mode<synchronous>, transform_indices = @transform_7, window_bounds = array<i64: 700, 170>}, {pipeline_mode = #tpu.pipeline_mode<synchronous>, transform_indices = @transform_8, window_bounds = array<i64: 1, 170>}, {pipeline_mode = #tpu.pipeline_mode<synchronous>, transform_indices = @transform_9, window_bounds = array<i64: 170, 48>}, {pipeline_mode = #tpu.pipeline_mode<synchronous>, transform_indices = @transform_10, window_bounds = array<i64: 1, 48>}, {pipeline_mode = #tpu.pipeline_mode<synchronous>, transform_indices = @transform_11, window_bounds = array<i64: 4, 24, 256>}, {pipeline_mode = #tpu.pipeline_mode<synchronous>, transform_indices = @transform_12, window_bounds = array<i64: 4, 256>}, {pipeline_mode = #tpu.pipeline_mode<synchronous>, transform_indices = @transform_13, window_bounds = array<i64: 4, 256, 36>}, {pipeline_mode = #tpu.pipeline_mode<synchronous>, transform_indices = @transform_14, window_bounds = array<i64: 1, 36>}, {pipeline_mode = #tpu.pipeline_mode<synchronous>, transform_indices = @transform_15, window_bounds = array<i64: 108, 10>}, {pipeline_mode = #tpu.pipeline_mode<synchronous>, transform_indices = @transform_16, window_bounds = array<i64: 1, 10>}, {pipeline_mode = #tpu.pipeline_mode<synchronous>, transform_indices = @transform_17, window_bounds = array<i64: 10, 2>}, {pipeline_mode = #tpu.pipeline_mode<synchronous>, transform_indices = @transform_18, window_bounds = array<i64: 1, 2>}, {transform_indices = @transform_19, window_bounds = array<i64: 256, 256>}, {transform_indices = @transform_20, window_bounds = array<i64: 256, 256>}, {transform_indices = @transform_21, window_bounds = array<i64: 256, 256>}, {transform_indices = @transform_22, window_bounds = array<i64: 256, 256>}, {transform_indices = @transform_23, window_bounds = array<i64: 256, 256>}, {transform_indices = @transform_24, window_bounds = array<i64: 256, 256>}, {transform_indices = @transform_25, window_bounds = array<i64: 256, 256>}, {transform_indices = @transform_26, window_bounds = array<i64: 256, 256>}, {transform_indices = @transform_27, window_bounds = array<i64: 256, 2>}]} {
    %get3A = arith.constant 0 : index
    %get3A_0 = arith.constant 0 : index
    %get3A_1 = arith.constant 0 : index
    %get3A_2 = vector.load %arg1[%get3A, %get3A_0, %get3A_1] : memref<20x256x48xf32, #tpu.memory_space<vmem>>, vector<20x256x48xf32>
    %get3A_3 = arith.constant 0 : index
    %get3A_4 = arith.constant 0 : index
    %get3A_5 = arith.constant 0 : index
    %get3A_6 = vector.load %arg2[%get3A_3, %get3A_4, %get3A_5] : memref<20x256x48xf32, #tpu.memory_space<vmem>>, vector<20x256x48xf32>
    %add3A = arith.addf %get3A_2, %get3A_6 : vector<20x256x48xf32>
    %logistic3A = arith.negf %add3A : vector<20x256x48xf32>
    %logistic3A_7 = math.exp %logistic3A : vector<20x256x48xf32>
    %logistic3A_8 = arith.constant 1.000000e+00 : f32
    %logistic3A_9 = vector.broadcast %logistic3A_8 : f32 to vector<20x256x48xf32>
    %logistic3A_10 = arith.addf %logistic3A_9, %logistic3A_7 : vector<20x256x48xf32>
    %logistic3A_11 = arith.divf %logistic3A_9, %logistic3A_10 : vector<20x256x48xf32>
    %slice3A = vector.extract_strided_slice %logistic3A_11 {offsets = [0, 0, 0], sizes = [1, 256, 48], strides = [1, 1, 1]} : vector<20x256x48xf32> to vector<1x256x48xf32>
    %squeeze3A = vector.shape_cast %slice3A : vector<1x256x48xf32> to vector<256x48xf32>
    %slice3A_12 = vector.extract_strided_slice %logistic3A_11 {offsets = [1, 0, 0], sizes = [1, 256, 48], strides = [1, 1, 1]} : vector<20x256x48xf32> to vector<1x256x48xf32>
    %squeeze3A_13 = vector.shape_cast %slice3A_12 : vector<1x256x48xf32> to vector<256x48xf32>
    %slice3A_14 = vector.extract_strided_slice %logistic3A_11 {offsets = [2, 0, 0], sizes = [1, 256, 48], strides = [1, 1, 1]} : vector<20x256x48xf32> to vector<1x256x48xf32>
    %squeeze3A_15 = vector.shape_cast %slice3A_14 : vector<1x256x48xf32> to vector<256x48xf32>
    %slice3A_16 = vector.extract_strided_slice %logistic3A_11 {offsets = [3, 0, 0], sizes = [1, 256, 48], strides = [1, 1, 1]} : vector<20x256x48xf32> to vector<1x256x48xf32>
    %squeeze3A_17 = vector.shape_cast %slice3A_16 : vector<1x256x48xf32> to vector<256x48xf32>
    %slice3A_18 = vector.extract_strided_slice %logistic3A_11 {offsets = [4, 0, 0], sizes = [1, 256, 48], strides = [1, 1, 1]} : vector<20x256x48xf32> to vector<1x256x48xf32>
    %squeeze3A_19 = vector.shape_cast %slice3A_18 : vector<1x256x48xf32> to vector<256x48xf32>
    %slice3A_20 = vector.extract_strided_slice %logistic3A_11 {offsets = [5, 0, 0], sizes = [1, 256, 48], strides = [1, 1, 1]} : vector<20x256x48xf32> to vector<1x256x48xf32>
    %squeeze3A_21 = vector.shape_cast %slice3A_20 : vector<1x256x48xf32> to vector<256x48xf32>
    %slice3A_22 = vector.extract_strided_slice %logistic3A_11 {offsets = [6, 0, 0], sizes = [1, 256, 48], strides = [1, 1, 1]} : vector<20x256x48xf32> to vector<1x256x48xf32>
    %squeeze3A_23 = vector.shape_cast %slice3A_22 : vector<1x256x48xf32> to vector<256x48xf32>
    %slice3A_24 = vector.extract_strided_slice %logistic3A_11 {offsets = [7, 0, 0], sizes = [1, 256, 48], strides = [1, 1, 1]} : vector<20x256x48xf32> to vector<1x256x48xf32>
    %squeeze3A_25 = vector.shape_cast %slice3A_24 : vector<1x256x48xf32> to vector<256x48xf32>
    %slice3A_26 = vector.extract_strided_slice %logistic3A_11 {offsets = [8, 0, 0], sizes = [1, 256, 48], strides = [1, 1, 1]} : vector<20x256x48xf32> to vector<1x256x48xf32>
    %squeeze3A_27 = vector.shape_cast %slice3A_26 : vector<1x256x48xf32> to vector<256x48xf32>
    %slice3A_28 = vector.extract_strided_slice %logistic3A_11 {offsets = [9, 0, 0], sizes = [1, 256, 48], strides = [1, 1, 1]} : vector<20x256x48xf32> to vector<1x256x48xf32>
    %squeeze3A_29 = vector.shape_cast %slice3A_28 : vector<1x256x48xf32> to vector<256x48xf32>
    %slice3A_30 = vector.extract_strided_slice %logistic3A_11 {offsets = [10, 0, 0], sizes = [1, 256, 48], strides = [1, 1, 1]} : vector<20x256x48xf32> to vector<1x256x48xf32>
    %squeeze3A_31 = vector.shape_cast %slice3A_30 : vector<1x256x48xf32> to vector<256x48xf32>
    %slice3A_32 = vector.extract_strided_slice %logistic3A_11 {offsets = [11, 0, 0], sizes = [1, 256, 48], strides = [1, 1, 1]} : vector<20x256x48xf32> to vector<1x256x48xf32>
    %squeeze3A_33 = vector.shape_cast %slice3A_32 : vector<1x256x48xf32> to vector<256x48xf32>
    %slice3A_34 = vector.extract_strided_slice %logistic3A_11 {offsets = [12, 0, 0], sizes = [1, 256, 48], strides = [1, 1, 1]} : vector<20x256x48xf32> to vector<1x256x48xf32>
    %squeeze3A_35 = vector.shape_cast %slice3A_34 : vector<1x256x48xf32> to vector<256x48xf32>
    %slice3A_36 = vector.extract_strided_slice %logistic3A_11 {offsets = [13, 0, 0], sizes = [1, 256, 48], strides = [1, 1, 1]} : vector<20x256x48xf32> to vector<1x256x48xf32>
    %squeeze3A_37 = vector.shape_cast %slice3A_36 : vector<1x256x48xf32> to vector<256x48xf32>
    %slice3A_38 = vector.extract_strided_slice %logistic3A_11 {offsets = [14, 0, 0], sizes = [1, 256, 48], strides = [1, 1, 1]} : vector<20x256x48xf32> to vector<1x256x48xf32>
    %squeeze3A_39 = vector.shape_cast %slice3A_38 : vector<1x256x48xf32> to vector<256x48xf32>
    %slice3A_40 = vector.extract_strided_slice %logistic3A_11 {offsets = [15, 0, 0], sizes = [1, 256, 48], strides = [1, 1, 1]} : vector<20x256x48xf32> to vector<1x256x48xf32>
    %squeeze3A_41 = vector.shape_cast %slice3A_40 : vector<1x256x48xf32> to vector<256x48xf32>
    %slice3A_42 = vector.extract_strided_slice %logistic3A_11 {offsets = [16, 0, 0], sizes = [1, 256, 48], strides = [1, 1, 1]} : vector<20x256x48xf32> to vector<1x256x48xf32>
    %squeeze3A_43 = vector.shape_cast %slice3A_42 : vector<1x256x48xf32> to vector<256x48xf32>
    %slice3A_44 = vector.extract_strided_slice %logistic3A_11 {offsets = [17, 0, 0], sizes = [1, 256, 48], strides = [1, 1, 1]} : vector<20x256x48xf32> to vector<1x256x48xf32>
    %squeeze3A_45 = vector.shape_cast %slice3A_44 : vector<1x256x48xf32> to vector<256x48xf32>
    %slice3A_46 = vector.extract_strided_slice %logistic3A_11 {offsets = [18, 0, 0], sizes = [1, 256, 48], strides = [1, 1, 1]} : vector<20x256x48xf32> to vector<1x256x48xf32>
    %squeeze3A_47 = vector.shape_cast %slice3A_46 : vector<1x256x48xf32> to vector<256x48xf32>
    %slice3A_48 = vector.extract_strided_slice %logistic3A_11 {offsets = [19, 0, 0], sizes = [1, 256, 48], strides = [1, 1, 1]} : vector<20x256x48xf32> to vector<1x256x48xf32>
    %squeeze3A_49 = vector.shape_cast %slice3A_48 : vector<1x256x48xf32> to vector<256x48xf32>
    %concatenate3A = tpu.concatenate %squeeze3A, %squeeze3A_13, %squeeze3A_15, %squeeze3A_17, %squeeze3A_19, %squeeze3A_21, %squeeze3A_23, %squeeze3A_25, %squeeze3A_27, %squeeze3A_29, %squeeze3A_31, %squeeze3A_33, %squeeze3A_35, %squeeze3A_37, %squeeze3A_39, %squeeze3A_41, %squeeze3A_43, %squeeze3A_45, %squeeze3A_47, %squeeze3A_49 in 1 : vector<256x48xf32>, vector<256x48xf32>, vector<256x48xf32>, vector<256x48xf32>, vector<256x48xf32>, vector<256x48xf32>, vector<256x48xf32>, vector<256x48xf32>, vector<256x48xf32>, vector<256x48xf32>, vector<256x48xf32>, vector<256x48xf32>, vector<256x48xf32>, vector<256x48xf32>, vector<256x48xf32>, vector<256x48xf32>, vector<256x48xf32>, vector<256x48xf32>, vector<256x48xf32>, vector<256x48xf32> -> vector<256x960xf32>
    %add3A_50 = arith.addf %squeeze3A, %squeeze3A_13 : vector<256x48xf32>
    %add3A_51 = arith.addf %add3A_50, %squeeze3A_15 : vector<256x48xf32>
    %add3A_52 = arith.addf %add3A_51, %squeeze3A_17 : vector<256x48xf32>
    %add3A_53 = arith.addf %add3A_52, %squeeze3A_19 : vector<256x48xf32>
    %add3A_54 = arith.addf %add3A_53, %squeeze3A_21 : vector<256x48xf32>
    %add3A_55 = arith.addf %add3A_54, %squeeze3A_23 : vector<256x48xf32>
    %add3A_56 = arith.addf %add3A_55, %squeeze3A_25 : vector<256x48xf32>
    %add3A_57 = arith.addf %add3A_56, %squeeze3A_27 : vector<256x48xf32>
    %add3A_58 = arith.addf %add3A_57, %squeeze3A_29 : vector<256x48xf32>
    %add3A_59 = arith.addf %add3A_58, %squeeze3A_31 : vector<256x48xf32>
    %add3A_60 = arith.addf %add3A_59, %squeeze3A_33 : vector<256x48xf32>
    %add3A_61 = arith.addf %add3A_60, %squeeze3A_35 : vector<256x48xf32>
    %add3A_62 = arith.addf %add3A_61, %squeeze3A_37 : vector<256x48xf32>
    %add3A_63 = arith.addf %add3A_62, %squeeze3A_39 : vector<256x48xf32>
    %add3A_64 = arith.addf %add3A_63, %squeeze3A_41 : vector<256x48xf32>
    %add3A_65 = arith.addf %add3A_64, %squeeze3A_43 : vector<256x48xf32>
    %add3A_66 = arith.addf %add3A_65, %squeeze3A_45 : vector<256x48xf32>
    %add3A_67 = arith.addf %add3A_66, %squeeze3A_47 : vector<256x48xf32>
    %add3A_68 = arith.addf %add3A_67, %squeeze3A_49 : vector<256x48xf32>
    %mul3A = arith.constant 5.000000e-02 : f32
    %mul3A_69 = vector.broadcast %mul3A : f32 to vector<256x48xf32>
    %mul3A_70 = arith.mulf %add3A_68, %mul3A_69 : vector<256x48xf32>
    %get3A_71 = arith.constant 0 : index
    %get3A_72 = arith.constant 0 : index
    %get3A_73 = arith.constant 0 : index
    %get3A_74 = vector.load %arg3[%get3A_71, %get3A_72, %get3A_73] : memref<20x256x48xf32, #tpu.memory_space<vmem>>, vector<20x256x48xf32>
    %get3A_75 = arith.constant 0 : index
    %get3A_76 = arith.constant 0 : index
    %get3A_77 = arith.constant 0 : index
    %get3A_78 = vector.load %arg4[%get3A_75, %get3A_76, %get3A_77] : memref<20x256x48xf32, #tpu.memory_space<vmem>>, vector<20x256x48xf32>
    %add3A_79 = arith.addf %get3A_74, %get3A_78 : vector<20x256x48xf32>
    %logistic3A_80 = arith.negf %add3A_79 : vector<20x256x48xf32>
    %logistic3A_81 = math.exp %logistic3A_80 : vector<20x256x48xf32>
    %logistic3A_82 = arith.constant 1.000000e+00 : f32
    %logistic3A_83 = vector.broadcast %logistic3A_82 : f32 to vector<20x256x48xf32>
    %logistic3A_84 = arith.addf %logistic3A_83, %logistic3A_81 : vector<20x256x48xf32>
    %logistic3A_85 = arith.divf %logistic3A_83, %logistic3A_84 : vector<20x256x48xf32>
    %slice3A_86 = vector.extract_strided_slice %logistic3A_85 {offsets = [0, 0, 0], sizes = [1, 256, 48], strides = [1, 1, 1]} : vector<20x256x48xf32> to vector<1x256x48xf32>
    %squeeze3A_87 = vector.shape_cast %slice3A_86 : vector<1x256x48xf32> to vector<256x48xf32>
    %slice3A_88 = vector.extract_strided_slice %logistic3A_85 {offsets = [1, 0, 0], sizes = [1, 256, 48], strides = [1, 1, 1]} : vector<20x256x48xf32> to vector<1x256x48xf32>
    %squeeze3A_89 = vector.shape_cast %slice3A_88 : vector<1x256x48xf32> to vector<256x48xf32>
    %slice3A_90 = vector.extract_strided_slice %logistic3A_85 {offsets = [2, 0, 0], sizes = [1, 256, 48], strides = [1, 1, 1]} : vector<20x256x48xf32> to vector<1x256x48xf32>
    %squeeze3A_91 = vector.shape_cast %slice3A_90 : vector<1x256x48xf32> to vector<256x48xf32>
    %slice3A_92 = vector.extract_strided_slice %logistic3A_85 {offsets = [3, 0, 0], sizes = [1, 256, 48], strides = [1, 1, 1]} : vector<20x256x48xf32> to vector<1x256x48xf32>
    %squeeze3A_93 = vector.shape_cast %slice3A_92 : vector<1x256x48xf32> to vector<256x48xf32>
    %slice3A_94 = vector.extract_strided_slice %logistic3A_85 {offsets = [4, 0, 0], sizes = [1, 256, 48], strides = [1, 1, 1]} : vector<20x256x48xf32> to vector<1x256x48xf32>
    %squeeze3A_95 = vector.shape_cast %slice3A_94 : vector<1x256x48xf32> to vector<256x48xf32>
    %slice3A_96 = vector.extract_strided_slice %logistic3A_85 {offsets = [5, 0, 0], sizes = [1, 256, 48], strides = [1, 1, 1]} : vector<20x256x48xf32> to vector<1x256x48xf32>
    %squeeze3A_97 = vector.shape_cast %slice3A_96 : vector<1x256x48xf32> to vector<256x48xf32>
    %slice3A_98 = vector.extract_strided_slice %logistic3A_85 {offsets = [6, 0, 0], sizes = [1, 256, 48], strides = [1, 1, 1]} : vector<20x256x48xf32> to vector<1x256x48xf32>
    %squeeze3A_99 = vector.shape_cast %slice3A_98 : vector<1x256x48xf32> to vector<256x48xf32>
    %slice3A_100 = vector.extract_strided_slice %logistic3A_85 {offsets = [7, 0, 0], sizes = [1, 256, 48], strides = [1, 1, 1]} : vector<20x256x48xf32> to vector<1x256x48xf32>
    %squeeze3A_101 = vector.shape_cast %slice3A_100 : vector<1x256x48xf32> to vector<256x48xf32>
    %slice3A_102 = vector.extract_strided_slice %logistic3A_85 {offsets = [8, 0, 0], sizes = [1, 256, 48], strides = [1, 1, 1]} : vector<20x256x48xf32> to vector<1x256x48xf32>
    %squeeze3A_103 = vector.shape_cast %slice3A_102 : vector<1x256x48xf32> to vector<256x48xf32>
    %slice3A_104 = vector.extract_strided_slice %logistic3A_85 {offsets = [9, 0, 0], sizes = [1, 256, 48], strides = [1, 1, 1]} : vector<20x256x48xf32> to vector<1x256x48xf32>
    %squeeze3A_105 = vector.shape_cast %slice3A_104 : vector<1x256x48xf32> to vector<256x48xf32>
    %slice3A_106 = vector.extract_strided_slice %logistic3A_85 {offsets = [10, 0, 0], sizes = [1, 256, 48], strides = [1, 1, 1]} : vector<20x256x48xf32> to vector<1x256x48xf32>
    %squeeze3A_107 = vector.shape_cast %slice3A_106 : vector<1x256x48xf32> to vector<256x48xf32>
    %slice3A_108 = vector.extract_strided_slice %logistic3A_85 {offsets = [11, 0, 0], sizes = [1, 256, 48], strides = [1, 1, 1]} : vector<20x256x48xf32> to vector<1x256x48xf32>
    %squeeze3A_109 = vector.shape_cast %slice3A_108 : vector<1x256x48xf32> to vector<256x48xf32>
    %slice3A_110 = vector.extract_strided_slice %logistic3A_85 {offsets = [12, 0, 0], sizes = [1, 256, 48], strides = [1, 1, 1]} : vector<20x256x48xf32> to vector<1x256x48xf32>
    %squeeze3A_111 = vector.shape_cast %slice3A_110 : vector<1x256x48xf32> to vector<256x48xf32>
    %slice3A_112 = vector.extract_strided_slice %logistic3A_85 {offsets = [13, 0, 0], sizes = [1, 256, 48], strides = [1, 1, 1]} : vector<20x256x48xf32> to vector<1x256x48xf32>
    %squeeze3A_113 = vector.shape_cast %slice3A_112 : vector<1x256x48xf32> to vector<256x48xf32>
    %slice3A_114 = vector.extract_strided_slice %logistic3A_85 {offsets = [14, 0, 0], sizes = [1, 256, 48], strides = [1, 1, 1]} : vector<20x256x48xf32> to vector<1x256x48xf32>
    %squeeze3A_115 = vector.shape_cast %slice3A_114 : vector<1x256x48xf32> to vector<256x48xf32>
    %slice3A_116 = vector.extract_strided_slice %logistic3A_85 {offsets = [15, 0, 0], sizes = [1, 256, 48], strides = [1, 1, 1]} : vector<20x256x48xf32> to vector<1x256x48xf32>
    %squeeze3A_117 = vector.shape_cast %slice3A_116 : vector<1x256x48xf32> to vector<256x48xf32>
    %slice3A_118 = vector.extract_strided_slice %logistic3A_85 {offsets = [16, 0, 0], sizes = [1, 256, 48], strides = [1, 1, 1]} : vector<20x256x48xf32> to vector<1x256x48xf32>
    %squeeze3A_119 = vector.shape_cast %slice3A_118 : vector<1x256x48xf32> to vector<256x48xf32>
    %slice3A_120 = vector.extract_strided_slice %logistic3A_85 {offsets = [17, 0, 0], sizes = [1, 256, 48], strides = [1, 1, 1]} : vector<20x256x48xf32> to vector<1x256x48xf32>
    %squeeze3A_121 = vector.shape_cast %slice3A_120 : vector<1x256x48xf32> to vector<256x48xf32>
    %slice3A_122 = vector.extract_strided_slice %logistic3A_85 {offsets = [18, 0, 0], sizes = [1, 256, 48], strides = [1, 1, 1]} : vector<20x256x48xf32> to vector<1x256x48xf32>
    %squeeze3A_123 = vector.shape_cast %slice3A_122 : vector<1x256x48xf32> to vector<256x48xf32>
    %slice3A_124 = vector.extract_strided_slice %logistic3A_85 {offsets = [19, 0, 0], sizes = [1, 256, 48], strides = [1, 1, 1]} : vector<20x256x48xf32> to vector<1x256x48xf32>
    %squeeze3A_125 = vector.shape_cast %slice3A_124 : vector<1x256x48xf32> to vector<256x48xf32>
    %concatenate3A_126 = tpu.concatenate %squeeze3A_87, %squeeze3A_89, %squeeze3A_91, %squeeze3A_93, %squeeze3A_95, %squeeze3A_97, %squeeze3A_99, %squeeze3A_101, %squeeze3A_103, %squeeze3A_105, %squeeze3A_107, %squeeze3A_109, %squeeze3A_111, %squeeze3A_113, %squeeze3A_115, %squeeze3A_117, %squeeze3A_119, %squeeze3A_121, %squeeze3A_123, %squeeze3A_125 in 1 : vector<256x48xf32>, vector<256x48xf32>, vector<256x48xf32>, vector<256x48xf32>, vector<256x48xf32>, vector<256x48xf32>, vector<256x48xf32>, vector<256x48xf32>, vector<256x48xf32>, vector<256x48xf32>, vector<256x48xf32>, vector<256x48xf32>, vector<256x48xf32>, vector<256x48xf32>, vector<256x48xf32>, vector<256x48xf32>, vector<256x48xf32>, vector<256x48xf32>, vector<256x48xf32>, vector<256x48xf32> -> vector<256x960xf32>
    %add3A_127 = arith.addf %squeeze3A_87, %squeeze3A_89 : vector<256x48xf32>
    %add3A_128 = arith.addf %add3A_127, %squeeze3A_91 : vector<256x48xf32>
    %add3A_129 = arith.addf %add3A_128, %squeeze3A_93 : vector<256x48xf32>
    %add3A_130 = arith.addf %add3A_129, %squeeze3A_95 : vector<256x48xf32>
    %add3A_131 = arith.addf %add3A_130, %squeeze3A_97 : vector<256x48xf32>
    %add3A_132 = arith.addf %add3A_131, %squeeze3A_99 : vector<256x48xf32>
    %add3A_133 = arith.addf %add3A_132, %squeeze3A_101 : vector<256x48xf32>
    %add3A_134 = arith.addf %add3A_133, %squeeze3A_103 : vector<256x48xf32>
    %add3A_135 = arith.addf %add3A_134, %squeeze3A_105 : vector<256x48xf32>
    %add3A_136 = arith.addf %add3A_135, %squeeze3A_107 : vector<256x48xf32>
    %add3A_137 = arith.addf %add3A_136, %squeeze3A_109 : vector<256x48xf32>
    %add3A_138 = arith.addf %add3A_137, %squeeze3A_111 : vector<256x48xf32>
    %add3A_139 = arith.addf %add3A_138, %squeeze3A_113 : vector<256x48xf32>
    %add3A_140 = arith.addf %add3A_139, %squeeze3A_115 : vector<256x48xf32>
    %add3A_141 = arith.addf %add3A_140, %squeeze3A_117 : vector<256x48xf32>
    %add3A_142 = arith.addf %add3A_141, %squeeze3A_119 : vector<256x48xf32>
    %add3A_143 = arith.addf %add3A_142, %squeeze3A_121 : vector<256x48xf32>
    %add3A_144 = arith.addf %add3A_143, %squeeze3A_123 : vector<256x48xf32>
    %add3A_145 = arith.addf %add3A_144, %squeeze3A_125 : vector<256x48xf32>
    %mul3A_146 = arith.constant 5.000000e-02 : f32
    %mul3A_147 = vector.broadcast %mul3A_146 : f32 to vector<256x48xf32>
    %mul3A_148 = arith.mulf %add3A_145, %mul3A_147 : vector<256x48xf32>
    %get3A_149 = arith.constant 0 : index
    %get3A_150 = arith.constant 0 : index
    %get3A_151 = vector.load %arg5[%get3A_149, %get3A_150] : memref<960x700xf32, #tpu.memory_space<vmem>>, vector<960x700xf32>
    %dot_general3A = arith.constant dense<0.000000e+00> : vector<256x700xf32>
    %dot_general3A_152 = tpu.matmul %concatenate3A, %get3A_151, %dot_general3A {dimension_numbers = #tpu.dot_dimension_numbers<[1], [0], [0], [1], [0, 0, 1, 1], [], []>, transpose_lhs_hint = false} : vector<256x960xf32>, vector<960x700xf32>, vector<256x700xf32> -> vector<256x700xf32>
    %get3A_153 = arith.constant 0 : index
    %get3A_154 = arith.constant 0 : index
    %get3A_155 = vector.load %arg6[%get3A_153, %get3A_154] : memref<960x700xf32, #tpu.memory_space<vmem>>, vector<960x700xf32>
    %dot_general3A_156 = arith.constant dense<0.000000e+00> : vector<256x700xf32>
    %dot_general3A_157 = tpu.matmul %concatenate3A_126, %get3A_155, %dot_general3A_156 {dimension_numbers = #tpu.dot_dimension_numbers<[1], [0], [0], [1], [0, 0, 1, 1], [], []>, transpose_lhs_hint = false} : vector<256x960xf32>, vector<960x700xf32>, vector<256x700xf32> -> vector<256x700xf32>
    %add3A_158 = arith.addf %dot_general3A_152, %dot_general3A_157 : vector<256x700xf32>
    %get3A_159 = arith.constant 0 : index
    %get3A_160 = arith.constant 0 : index
    %get3A_161 = vector.load %arg7[%get3A_159, %get3A_160] : memref<1x700xf32, #tpu.memory_space<vmem>>, vector<1x700xf32>
    %add3A_162 = vector.broadcast %get3A_161 : vector<1x700xf32> to vector<256x700xf32>
    %add3A_163 = arith.addf %add3A_158, %add3A_162 : vector<256x700xf32>
    %get3A_164 = arith.constant 0 : index
    %get3A_165 = arith.constant 0 : index
    %get3A_166 = vector.load %arg8[%get3A_164, %get3A_165] : memref<700x170xf32, #tpu.memory_space<vmem>>, vector<700x170xf32>
    %dot_general3A_167 = arith.constant dense<0.000000e+00> : vector<256x170xf32>
    %dot_general3A_168 = tpu.matmul %add3A_163, %get3A_166, %dot_general3A_167 {dimension_numbers = #tpu.dot_dimension_numbers<[1], [0], [0], [1], [0, 0, 1, 1], [], []>, transpose_lhs_hint = false} : vector<256x700xf32>, vector<700x170xf32>, vector<256x170xf32> -> vector<256x170xf32>
    %get3A_169 = arith.constant 0 : index
    %get3A_170 = arith.constant 0 : index
    %get3A_171 = vector.load %arg9[%get3A_169, %get3A_170] : memref<1x170xf32, #tpu.memory_space<vmem>>, vector<1x170xf32>
    %add3A_172 = vector.broadcast %get3A_171 : vector<1x170xf32> to vector<256x170xf32>
    %add3A_173 = arith.addf %dot_general3A_168, %add3A_172 : vector<256x170xf32>
    %get3A_174 = arith.constant 0 : index
    %get3A_175 = arith.constant 0 : index
    %get3A_176 = vector.load %arg10[%get3A_174, %get3A_175] : memref<170x48xf32, #tpu.memory_space<vmem>>, vector<170x48xf32>
    %dot_general3A_177 = arith.constant dense<0.000000e+00> : vector<256x48xf32>
    %dot_general3A_178 = tpu.matmul %add3A_173, %get3A_176, %dot_general3A_177 {dimension_numbers = #tpu.dot_dimension_numbers<[1], [0], [0], [1], [0, 0, 1, 1], [], []>, transpose_lhs_hint = false} : vector<256x170xf32>, vector<170x48xf32>, vector<256x48xf32> -> vector<256x48xf32>
    %get3A_179 = arith.constant 0 : index
    %get3A_180 = arith.constant 0 : index
    %get3A_181 = vector.load %arg11[%get3A_179, %get3A_180] : memref<1x48xf32, #tpu.memory_space<vmem>>, vector<1x48xf32>
    %add3A_182 = vector.broadcast %get3A_181 : vector<1x48xf32> to vector<256x48xf32>
    %add3A_183 = arith.addf %dot_general3A_178, %add3A_182 : vector<256x48xf32>
    %slice3A_184 = vector.extract_strided_slice %add3A_183 {offsets = [0, 0], sizes = [256, 24], strides = [1, 1]} : vector<256x48xf32> to vector<256x24xf32>
    %slice3A_185 = vector.extract_strided_slice %add3A_183 {offsets = [0, 24], sizes = [256, 24], strides = [1, 1]} : vector<256x48xf32> to vector<256x24xf32>
    %max3A = arith.maximumf %slice3A_184, %slice3A_185 : vector<256x24xf32>
    %get3A_186 = arith.constant 0 : index
    %get3A_187 = arith.constant 0 : index
    %get3A_188 = arith.constant 0 : index
    %get3A_189 = vector.load %arg12[%get3A_186, %get3A_187, %get3A_188] : memref<4x24x256xf32, #tpu.memory_space<vmem>>, vector<1x24x256xf32>
    %get3A_190 = vector.shape_cast %get3A_189 : vector<1x24x256xf32> to vector<24x256xf32>
    %dot_general3A_191 = arith.constant dense<0.000000e+00> : vector<256x256xf32>
    %dot_general3A_192 = tpu.matmul %max3A, %get3A_190, %dot_general3A_191 {dimension_numbers = #tpu.dot_dimension_numbers<[1], [0], [0], [1], [0, 0, 1, 1], [], []>, transpose_lhs_hint = false} : vector<256x24xf32>, vector<24x256xf32>, vector<256x256xf32> -> vector<256x256xf32>
    %get3A_193 = arith.constant 0 : index
    %get3A_194 = arith.constant 0 : index
    %get3A_195 = vector.load %arg13[%get3A_193, %get3A_194] : memref<4x256xf32, #tpu.memory_space<vmem>>, vector<1x256xf32>
    %get3A_196 = vector.shape_cast %get3A_195 : vector<1x256xf32> to vector<256xf32>
    %broadcast_in_dim3A = vector.shape_cast %get3A_196 : vector<256xf32> to vector<1x256xf32>
    %add3A_197 = vector.broadcast %broadcast_in_dim3A : vector<1x256xf32> to vector<256x256xf32>
    %add3A_198 = arith.addf %dot_general3A_192, %add3A_197 : vector<256x256xf32>
    %swap3A = arith.constant 0 : index
    %swap3A_199 = arith.constant 0 : index
    %swap3A_200 = vector.load %arg24[%swap3A, %swap3A_199] : memref<256x256xf32, #tpu.memory_space<vmem>>, vector<256x256xf32>
    tpu.vector_store %arg24[%swap3A, %swap3A_199], %add3A_198 {strides = array<i32>} : memref<256x256xf32, #tpu.memory_space<vmem>>, vector<256x256xf32>,
    %div3A = arith.constant 0.00999999977 : f32
    %div3A_201 = vector.broadcast %div3A : f32 to vector<256x256xf32>
    %div3A_202 = arith.divf %add3A_198, %div3A_201 : vector<256x256xf32>
    %reduce_max3A = arith.constant dense<0xFF800000> : vector<256xf32>
    %reduce_max3A_203 = vector.multi_reduction <maximumf>, %div3A_202, %reduce_max3A [1] : vector<256x256xf32> to vector<256xf32>
    %broadcast_in_dim3A_204 = vector.shape_cast %reduce_max3A_203 : vector<256xf32> to vector<256x1xf32>
    %sub3A = vector.broadcast %broadcast_in_dim3A_204 : vector<256x1xf32> to vector<256x256xf32>
    %sub3A_205 = arith.subf %div3A_202, %sub3A : vector<256x256xf32>
    %exp3A = math.exp %sub3A_205 : vector<256x256xf32>
    %reduce_sum3A = arith.constant dense<0.000000e+00> : vector<256xf32>
    %reduce_sum3A_206 = vector.multi_reduction <add>, %exp3A, %reduce_sum3A [1] : vector<256x256xf32> to vector<256xf32>
    %broadcast_in_dim3A_207 = vector.shape_cast %reduce_sum3A_206 : vector<256xf32> to vector<256x1xf32>
    %div3A_208 = vector.broadcast %broadcast_in_dim3A_207 : vector<256x1xf32> to vector<256x256xf32>
    %div3A_209 = arith.divf %exp3A, %div3A_208 : vector<256x256xf32>
    %swap3A_210 = arith.constant 0 : index
    %swap3A_211 = arith.constant 0 : index
    %swap3A_212 = vector.load %arg20[%swap3A_210, %swap3A_211] : memref<256x256xf32, #tpu.memory_space<vmem>>, vector<256x256xf32>
    tpu.vector_store %arg20[%swap3A_210, %swap3A_211], %div3A_209 {strides = array<i32>} : memref<256x256xf32, #tpu.memory_space<vmem>>, vector<256x256xf32>,
    %get3A_213 = arith.constant 0 : index
    %get3A_214 = arith.constant 0 : index
    %get3A_215 = arith.constant 0 : index
    %get3A_216 = vector.load %arg14[%get3A_213, %get3A_214, %get3A_215] : memref<4x256x36xf32, #tpu.memory_space<vmem>>, vector<1x256x36xf32>
    %get3A_217 = vector.shape_cast %get3A_216 : vector<1x256x36xf32> to vector<256x36xf32>
    %dot_general3A_218 = arith.constant dense<0.000000e+00> : vector<256x36xf32>
    %dot_general3A_219 = tpu.matmul %div3A_209, %get3A_217, %dot_general3A_218 {dimension_numbers = #tpu.dot_dimension_numbers<[1], [0], [0], [1], [0, 0, 1, 1], [], []>, transpose_lhs_hint = false} : vector<256x256xf32>, vector<256x36xf32>, vector<256x36xf32> -> vector<256x36xf32>
    %get3A_220 = arith.constant 1 : index
    %get3A_221 = arith.constant 0 : index
    %get3A_222 = arith.constant 0 : index
    %get3A_223 = vector.load %arg12[%get3A_220, %get3A_221, %get3A_222] : memref<4x24x256xf32, #tpu.memory_space<vmem>>, vector<1x24x256xf32>
    %get3A_224 = vector.shape_cast %get3A_223 : vector<1x24x256xf32> to vector<24x256xf32>
    %dot_general3A_225 = arith.constant dense<0.000000e+00> : vector<256x256xf32>
    %dot_general3A_226 = tpu.matmul %max3A, %get3A_224, %dot_general3A_225 {dimension_numbers = #tpu.dot_dimension_numbers<[1], [0], [0], [1], [0, 0, 1, 1], [], []>, transpose_lhs_hint = false} : vector<256x24xf32>, vector<24x256xf32>, vector<256x256xf32> -> vector<256x256xf32>
    %get3A_227 = arith.constant 1 : index
    %get3A_228 = arith.constant 0 : index
    %get3A_229 = vector.load %arg13[%get3A_227, %get3A_228] : memref<4x256xf32, #tpu.memory_space<vmem>>, vector<1x256xf32>
    %get3A_230 = vector.shape_cast %get3A_229 : vector<1x256xf32> to vector<256xf32>
    %broadcast_in_dim3A_231 = vector.shape_cast %get3A_230 : vector<256xf32> to vector<1x256xf32>
    %add3A_232 = vector.broadcast %broadcast_in_dim3A_231 : vector<1x256xf32> to vector<256x256xf32>
    %add3A_233 = arith.addf %dot_general3A_226, %add3A_232 : vector<256x256xf32>
    %swap3A_234 = arith.constant 0 : index
    %swap3A_235 = arith.constant 0 : index
    %swap3A_236 = vector.load %arg25[%swap3A_234, %swap3A_235] : memref<256x256xf32, #tpu.memory_space<vmem>>, vector<256x256xf32>
    tpu.vector_store %arg25[%swap3A_234, %swap3A_235], %add3A_233 {strides = array<i32>} : memref<256x256xf32, #tpu.memory_space<vmem>>, vector<256x256xf32>,
    %div3A_237 = arith.constant 0.00999999977 : f32
    %div3A_238 = vector.broadcast %div3A_237 : f32 to vector<256x256xf32>
    %div3A_239 = arith.divf %add3A_233, %div3A_238 : vector<256x256xf32>
    %reduce_max3A_240 = arith.constant dense<0xFF800000> : vector<256xf32>
    %reduce_max3A_241 = vector.multi_reduction <maximumf>, %div3A_239, %reduce_max3A_240 [1] : vector<256x256xf32> to vector<256xf32>
    %broadcast_in_dim3A_242 = vector.shape_cast %reduce_max3A_241 : vector<256xf32> to vector<256x1xf32>
    %sub3A_243 = vector.broadcast %broadcast_in_dim3A_242 : vector<256x1xf32> to vector<256x256xf32>
    %sub3A_244 = arith.subf %div3A_239, %sub3A_243 : vector<256x256xf32>
    %exp3A_245 = math.exp %sub3A_244 : vector<256x256xf32>
    %reduce_sum3A_246 = arith.constant dense<0.000000e+00> : vector<256xf32>
    %reduce_sum3A_247 = vector.multi_reduction <add>, %exp3A_245, %reduce_sum3A_246 [1] : vector<256x256xf32> to vector<256xf32>
    %broadcast_in_dim3A_248 = vector.shape_cast %reduce_sum3A_247 : vector<256xf32> to vector<256x1xf32>
    %div3A_249 = vector.broadcast %broadcast_in_dim3A_248 : vector<256x1xf32> to vector<256x256xf32>
    %div3A_250 = arith.divf %exp3A_245, %div3A_249 : vector<256x256xf32>
    %swap3A_251 = arith.constant 0 : index
    %swap3A_252 = arith.constant 0 : index
    %swap3A_253 = vector.load %arg21[%swap3A_251, %swap3A_252] : memref<256x256xf32, #tpu.memory_space<vmem>>, vector<256x256xf32>
    tpu.vector_store %arg21[%swap3A_251, %swap3A_252], %div3A_250 {strides = array<i32>} : memref<256x256xf32, #tpu.memory_space<vmem>>, vector<256x256xf32>,
    %get3A_254 = arith.constant 1 : index
    %get3A_255 = arith.constant 0 : index
    %get3A_256 = arith.constant 0 : index
    %get3A_257 = vector.load %arg14[%get3A_254, %get3A_255, %get3A_256] : memref<4x256x36xf32, #tpu.memory_space<vmem>>, vector<1x256x36xf32>
    %get3A_258 = vector.shape_cast %get3A_257 : vector<1x256x36xf32> to vector<256x36xf32>
    %dot_general3A_259 = arith.constant dense<0.000000e+00> : vector<256x36xf32>
    %dot_general3A_260 = tpu.matmul %div3A_250, %get3A_258, %dot_general3A_259 {dimension_numbers = #tpu.dot_dimension_numbers<[1], [0], [0], [1], [0, 0, 1, 1], [], []>, transpose_lhs_hint = false} : vector<256x256xf32>, vector<256x36xf32>, vector<256x36xf32> -> vector<256x36xf32>
    %add3A_261 = arith.addf %dot_general3A_219, %dot_general3A_260 : vector<256x36xf32>
    %get3A_262 = arith.constant 2 : index
    %get3A_263 = arith.constant 0 : index
    %get3A_264 = arith.constant 0 : index
    %get3A_265 = vector.load %arg12[%get3A_262, %get3A_263, %get3A_264] : memref<4x24x256xf32, #tpu.memory_space<vmem>>, vector<1x24x256xf32>
    %get3A_266 = vector.shape_cast %get3A_265 : vector<1x24x256xf32> to vector<24x256xf32>
    %dot_general3A_267 = arith.constant dense<0.000000e+00> : vector<256x256xf32>
    %dot_general3A_268 = tpu.matmul %max3A, %get3A_266, %dot_general3A_267 {dimension_numbers = #tpu.dot_dimension_numbers<[1], [0], [0], [1], [0, 0, 1, 1], [], []>, transpose_lhs_hint = false} : vector<256x24xf32>, vector<24x256xf32>, vector<256x256xf32> -> vector<256x256xf32>
    %get3A_269 = arith.constant 2 : index
    %get3A_270 = arith.constant 0 : index
    %get3A_271 = vector.load %arg13[%get3A_269, %get3A_270] : memref<4x256xf32, #tpu.memory_space<vmem>>, vector<1x256xf32>
    %get3A_272 = vector.shape_cast %get3A_271 : vector<1x256xf32> to vector<256xf32>
    %broadcast_in_dim3A_273 = vector.shape_cast %get3A_272 : vector<256xf32> to vector<1x256xf32>
    %add3A_274 = vector.broadcast %broadcast_in_dim3A_273 : vector<1x256xf32> to vector<256x256xf32>
    %add3A_275 = arith.addf %dot_general3A_268, %add3A_274 : vector<256x256xf32>
    %swap3A_276 = arith.constant 0 : index
    %swap3A_277 = arith.constant 0 : index
    %swap3A_278 = vector.load %arg26[%swap3A_276, %swap3A_277] : memref<256x256xf32, #tpu.memory_space<vmem>>, vector<256x256xf32>
    tpu.vector_store %arg26[%swap3A_276, %swap3A_277], %add3A_275 {strides = array<i32>} : memref<256x256xf32, #tpu.memory_space<vmem>>, vector<256x256xf32>,
    %div3A_279 = arith.constant 0.00999999977 : f32
    %div3A_280 = vector.broadcast %div3A_279 : f32 to vector<256x256xf32>
    %div3A_281 = arith.divf %add3A_275, %div3A_280 : vector<256x256xf32>
    %reduce_max3A_282 = arith.constant dense<0xFF800000> : vector<256xf32>
    %reduce_max3A_283 = vector.multi_reduction <maximumf>, %div3A_281, %reduce_max3A_282 [1] : vector<256x256xf32> to vector<256xf32>
    %broadcast_in_dim3A_284 = vector.shape_cast %reduce_max3A_283 : vector<256xf32> to vector<256x1xf32>
    %sub3A_285 = vector.broadcast %broadcast_in_dim3A_284 : vector<256x1xf32> to vector<256x256xf32>
    %sub3A_286 = arith.subf %div3A_281, %sub3A_285 : vector<256x256xf32>
    %exp3A_287 = math.exp %sub3A_286 : vector<256x256xf32>
    %reduce_sum3A_288 = arith.constant dense<0.000000e+00> : vector<256xf32>
    %reduce_sum3A_289 = vector.multi_reduction <add>, %exp3A_287, %reduce_sum3A_288 [1] : vector<256x256xf32> to vector<256xf32>
    %broadcast_in_dim3A_290 = vector.shape_cast %reduce_sum3A_289 : vector<256xf32> to vector<256x1xf32>
    %div3A_291 = vector.broadcast %broadcast_in_dim3A_290 : vector<256x1xf32> to vector<256x256xf32>
    %div3A_292 = arith.divf %exp3A_287, %div3A_291 : vector<256x256xf32>
    %swap3A_293 = arith.constant 0 : index
    %swap3A_294 = arith.constant 0 : index
    %swap3A_295 = vector.load %arg22[%swap3A_293, %swap3A_294] : memref<256x256xf32, #tpu.memory_space<vmem>>, vector<256x256xf32>
    tpu.vector_store %arg22[%swap3A_293, %swap3A_294], %div3A_292 {strides = array<i32>} : memref<256x256xf32, #tpu.memory_space<vmem>>, vector<256x256xf32>,
    %get3A_296 = arith.constant 2 : index
    %get3A_297 = arith.constant 0 : index
    %get3A_298 = arith.constant 0 : index
    %get3A_299 = vector.load %arg14[%get3A_296, %get3A_297, %get3A_298] : memref<4x256x36xf32, #tpu.memory_space<vmem>>, vector<1x256x36xf32>
    %get3A_300 = vector.shape_cast %get3A_299 : vector<1x256x36xf32> to vector<256x36xf32>
    %dot_general3A_301 = arith.constant dense<0.000000e+00> : vector<256x36xf32>
    %dot_general3A_302 = tpu.matmul %div3A_292, %get3A_300, %dot_general3A_301 {dimension_numbers = #tpu.dot_dimension_numbers<[1], [0], [0], [1], [0, 0, 1, 1], [], []>, transpose_lhs_hint = false} : vector<256x256xf32>, vector<256x36xf32>, vector<256x36xf32> -> vector<256x36xf32>
    %add3A_303 = arith.addf %add3A_261, %dot_general3A_302 : vector<256x36xf32>
    %get3A_304 = arith.constant 3 : index
    %get3A_305 = arith.constant 0 : index
    %get3A_306 = arith.constant 0 : index
    %get3A_307 = vector.load %arg12[%get3A_304, %get3A_305, %get3A_306] : memref<4x24x256xf32, #tpu.memory_space<vmem>>, vector<1x24x256xf32>
    %get3A_308 = vector.shape_cast %get3A_307 : vector<1x24x256xf32> to vector<24x256xf32>
    %dot_general3A_309 = arith.constant dense<0.000000e+00> : vector<256x256xf32>
    %dot_general3A_310 = tpu.matmul %max3A, %get3A_308, %dot_general3A_309 {dimension_numbers = #tpu.dot_dimension_numbers<[1], [0], [0], [1], [0, 0, 1, 1], [], []>, transpose_lhs_hint = false} : vector<256x24xf32>, vector<24x256xf32>, vector<256x256xf32> -> vector<256x256xf32>
    %get3A_311 = arith.constant 3 : index
    %get3A_312 = arith.constant 0 : index
    %get3A_313 = vector.load %arg13[%get3A_311, %get3A_312] : memref<4x256xf32, #tpu.memory_space<vmem>>, vector<1x256xf32>
    %get3A_314 = vector.shape_cast %get3A_313 : vector<1x256xf32> to vector<256xf32>
    %broadcast_in_dim3A_315 = vector.shape_cast %get3A_314 : vector<256xf32> to vector<1x256xf32>
    %add3A_316 = vector.broadcast %broadcast_in_dim3A_315 : vector<1x256xf32> to vector<256x256xf32>
    %add3A_317 = arith.addf %dot_general3A_310, %add3A_316 : vector<256x256xf32>
    %swap3A_318 = arith.constant 0 : index
    %swap3A_319 = arith.constant 0 : index
    %swap3A_320 = vector.load %arg27[%swap3A_318, %swap3A_319] : memref<256x256xf32, #tpu.memory_space<vmem>>, vector<256x256xf32>
    tpu.vector_store %arg27[%swap3A_318, %swap3A_319], %add3A_317 {strides = array<i32>} : memref<256x256xf32, #tpu.memory_space<vmem>>, vector<256x256xf32>,
    %div3A_321 = arith.constant 0.00999999977 : f32
    %div3A_322 = vector.broadcast %div3A_321 : f32 to vector<256x256xf32>
    %div3A_323 = arith.divf %add3A_317, %div3A_322 : vector<256x256xf32>
    %reduce_max3A_324 = arith.constant dense<0xFF800000> : vector<256xf32>
    %reduce_max3A_325 = vector.multi_reduction <maximumf>, %div3A_323, %reduce_max3A_324 [1] : vector<256x256xf32> to vector<256xf32>
    %broadcast_in_dim3A_326 = vector.shape_cast %reduce_max3A_325 : vector<256xf32> to vector<256x1xf32>
    %sub3A_327 = vector.broadcast %broadcast_in_dim3A_326 : vector<256x1xf32> to vector<256x256xf32>
    %sub3A_328 = arith.subf %div3A_323, %sub3A_327 : vector<256x256xf32>
    %exp3A_329 = math.exp %sub3A_328 : vector<256x256xf32>
    %reduce_sum3A_330 = arith.constant dense<0.000000e+00> : vector<256xf32>
    %reduce_sum3A_331 = vector.multi_reduction <add>, %exp3A_329, %reduce_sum3A_330 [1] : vector<256x256xf32> to vector<256xf32>
    %broadcast_in_dim3A_332 = vector.shape_cast %reduce_sum3A_331 : vector<256xf32> to vector<256x1xf32>
    %div3A_333 = vector.broadcast %broadcast_in_dim3A_332 : vector<256x1xf32> to vector<256x256xf32>
    %div3A_334 = arith.divf %exp3A_329, %div3A_333 : vector<256x256xf32>
    %swap3A_335 = arith.constant 0 : index
    %swap3A_336 = arith.constant 0 : index
    %swap3A_337 = vector.load %arg23[%swap3A_335, %swap3A_336] : memref<256x256xf32, #tpu.memory_space<vmem>>, vector<256x256xf32>
    tpu.vector_store %arg23[%swap3A_335, %swap3A_336], %div3A_334 {strides = array<i32>} : memref<256x256xf32, #tpu.memory_space<vmem>>, vector<256x256xf32>,
    %get3A_338 = arith.constant 3 : index
    %get3A_339 = arith.constant 0 : index
    %get3A_340 = arith.constant 0 : index
    %get3A_341 = vector.load %arg14[%get3A_338, %get3A_339, %get3A_340] : memref<4x256x36xf32, #tpu.memory_space<vmem>>, vector<1x256x36xf32>
    %get3A_342 = vector.shape_cast %get3A_341 : vector<1x256x36xf32> to vector<256x36xf32>
    %dot_general3A_343 = arith.constant dense<0.000000e+00> : vector<256x36xf32>
    %dot_general3A_344 = tpu.matmul %div3A_334, %get3A_342, %dot_general3A_343 {dimension_numbers = #tpu.dot_dimension_numbers<[1], [0], [0], [1], [0, 0, 1, 1], [], []>, transpose_lhs_hint = false} : vector<256x256xf32>, vector<256x36xf32>, vector<256x36xf32> -> vector<256x36xf32>
    %add3A_345 = arith.addf %add3A_303, %dot_general3A_344 : vector<256x36xf32>
    %get3A_346 = arith.constant 0 : index
    %get3A_347 = arith.constant 0 : index
    %get3A_348 = vector.load %arg15[%get3A_346, %get3A_347] : memref<1x36xf32, #tpu.memory_space<vmem>>, vector<1x36xf32>
    %add3A_349 = vector.broadcast %get3A_348 : vector<1x36xf32> to vector<256x36xf32>
    %add3A_350 = arith.addf %add3A_345, %add3A_349 : vector<256x36xf32>
    %logistic3A_351 = arith.negf %add3A_350 : vector<256x36xf32>
    %logistic3A_352 = math.exp %logistic3A_351 : vector<256x36xf32>
    %logistic3A_353 = arith.constant 1.000000e+00 : f32
    %logistic3A_354 = vector.broadcast %logistic3A_353 : f32 to vector<256x36xf32>
    %logistic3A_355 = arith.addf %logistic3A_354, %logistic3A_352 : vector<256x36xf32>
    %logistic3A_356 = arith.divf %logistic3A_354, %logistic3A_355 : vector<256x36xf32>
    %slice3A_357 = vector.extract_strided_slice %mul3A_70 {offsets = [0, 0], sizes = [256, 36], strides = [1, 1]} : vector<256x48xf32> to vector<256x36xf32>
    %slice3A_358 = vector.extract_strided_slice %mul3A_148 {offsets = [0, 0], sizes = [256, 36], strides = [1, 1]} : vector<256x48xf32> to vector<256x36xf32>
    %concatenate3A_359 = tpu.concatenate %logistic3A_356, %slice3A_357, %slice3A_358 in 1 : vector<256x36xf32>, vector<256x36xf32>, vector<256x36xf32> -> vector<256x108xf32>
    %get3A_360 = arith.constant 0 : index
    %get3A_361 = arith.constant 0 : index
    %get3A_362 = vector.load %arg16[%get3A_360, %get3A_361] : memref<108x10xf32, #tpu.memory_space<vmem>>, vector<108x10xf32>
    %dot_general3A_363 = arith.constant dense<0.000000e+00> : vector<256x10xf32>
    %dot_general3A_364 = tpu.matmul %concatenate3A_359, %get3A_362, %dot_general3A_363 {dimension_numbers = #tpu.dot_dimension_numbers<[1], [0], [0], [1], [0, 0, 1, 1], [], []>, transpose_lhs_hint = false} : vector<256x108xf32>, vector<108x10xf32>, vector<256x10xf32> -> vector<256x10xf32>
    %get3A_365 = arith.constant 0 : index
    %get3A_366 = arith.constant 0 : index
    %get3A_367 = vector.load %arg17[%get3A_365, %get3A_366] : memref<1x10xf32, #tpu.memory_space<vmem>>, vector<1x10xf32>
    %add3A_368 = vector.broadcast %get3A_367 : vector<1x10xf32> to vector<256x10xf32>
    %add3A_369 = arith.addf %dot_general3A_364, %add3A_368 : vector<256x10xf32>
    %max3A_370 = arith.constant 0.000000e+00 : f32
    %max3A_371 = vector.broadcast %max3A_370 : f32 to vector<256x10xf32>
    %max3A_372 = arith.maximumf %add3A_369, %max3A_371 : vector<256x10xf32>
    %get3A_373 = arith.constant 0 : index
    %get3A_374 = arith.constant 0 : index
    %get3A_375 = vector.load %arg18[%get3A_373, %get3A_374] : memref<10x2xf32, #tpu.memory_space<vmem>>, vector<10x2xf32>
    %dot_general3A_376 = arith.constant dense<0.000000e+00> : vector<256x2xf32>
    %dot_general3A_377 = tpu.matmul %max3A_372, %get3A_375, %dot_general3A_376 {dimension_numbers = #tpu.dot_dimension_numbers<[1], [0], [0], [1], [0, 0, 1, 1], [], []>, transpose_lhs_hint = false} : vector<256x10xf32>, vector<10x2xf32>, vector<256x2xf32> -> vector<256x2xf32>
    %get3A_378 = arith.constant 0 : index
    %get3A_379 = arith.constant 0 : index
    %get3A_380 = vector.load %arg19[%get3A_378, %get3A_379] : memref<1x2xf32, #tpu.memory_space<vmem>>, vector<1x2xf32>
    %add3A_381 = vector.broadcast %get3A_380 : vector<1x2xf32> to vector<256x2xf32>
    %add3A_382 = arith.addf %dot_general3A_377, %add3A_381 : vector<256x2xf32>
    %swap3A_383 = arith.constant 0 : index
    %swap3A_384 = arith.constant 0 : index
    %swap3A_385 = vector.load %arg28[%swap3A_383, %swap3A_384] : memref<256x2xf32, #tpu.memory_space<vmem>>, vector<256x2xf32>
    tpu.vector_store %arg28[%swap3A_383, %swap3A_384], %add3A_382 {strides = array<i32>} : memref<256x2xf32, #tpu.memory_space<vmem>>, vector<256x2xf32>,
    return
  }
  func.func @transform_0(%arg0: i32) -> (i32, i32, i32) {
    %c0_i32 = arith.constant 0 : i32
    %c0_i32_0 = arith.constant 0 : i32
    %c0_i32_1 = arith.constant 0 : i32
    return %c0_i32, %arg0, %c0_i32_0 : i32, i32, i32
  }
  func.func @transform_1(%arg0: i32) -> (i32, i32, i32) {
    %c0_i32 = arith.constant 0 : i32
    %c0_i32_0 = arith.constant 0 : i32
    %c0_i32_1 = arith.constant 0 : i32
    return %c0_i32, %arg0, %c0_i32_0 : i32, i32, i32
  }
  func.func @transform_2(%arg0: i32) -> (i32, i32, i32) {
    %add3A = arith.constant 16 : i32
    %add3A_0 = arith.addi %arg0, %add3A : i32
    %c0_i32 = arith.constant 0 : i32
    %c0_i32_1 = arith.constant 0 : i32
    %c0_i32_2 = arith.constant 0 : i32
    return %c0_i32, %add3A_0, %c0_i32_1 : i32, i32, i32
  }
  func.func @transform_3(%arg0: i32) -> (i32, i32, i32) {
    %add3A = arith.constant 16 : i32
    %add3A_0 = arith.addi %arg0, %add3A : i32
    %c0_i32 = arith.constant 0 : i32
    %c0_i32_1 = arith.constant 0 : i32
    %c0_i32_2 = arith.constant 0 : i32
    return %c0_i32, %add3A_0, %c0_i32_1 : i32, i32, i32
  }
  func.func @transform_4(%arg0: i32) -> (i32, i32) {
    %c0_i32 = arith.constant 0 : i32
    %c0_i32_0 = arith.constant 0 : i32
    %c0_i32_1 = arith.constant 0 : i32
    return %c0_i32, %c0_i32_0 : i32, i32
  }
  func.func @transform_5(%arg0: i32) -> (i32, i32) {
    %c0_i32 = arith.constant 0 : i32
    %c0_i32_0 = arith.constant 0 : i32
    %c0_i32_1 = arith.constant 0 : i32
    return %c0_i32, %c0_i32_0 : i32, i32
  }
  func.func @transform_6(%arg0: i32) -> (i32, i32) {
    %c0_i32 = arith.constant 0 : i32
    %c0_i32_0 = arith.constant 0 : i32
    %c0_i32_1 = arith.constant 0 : i32
    return %c0_i32, %c0_i32_0 : i32, i32
  }
  func.func @transform_7(%arg0: i32) -> (i32, i32) {
    %c0_i32 = arith.constant 0 : i32
    %c0_i32_0 = arith.constant 0 : i32
    %c0_i32_1 = arith.constant 0 : i32
    return %c0_i32, %c0_i32_0 : i32, i32
  }
  func.func @transform_8(%arg0: i32) -> (i32, i32) {
    %c0_i32 = arith.constant 0 : i32
    %c0_i32_0 = arith.constant 0 : i32
    %c0_i32_1 = arith.constant 0 : i32
    return %c0_i32, %c0_i32_0 : i32, i32
  }
  func.func @transform_9(%arg0: i32) -> (i32, i32) {
    %c0_i32 = arith.constant 0 : i32
    %c0_i32_0 = arith.constant 0 : i32
    %c0_i32_1 = arith.constant 0 : i32
    return %c0_i32, %c0_i32_0 : i32, i32
  }
  func.func @transform_10(%arg0: i32) -> (i32, i32) {
    %c0_i32 = arith.constant 0 : i32
    %c0_i32_0 = arith.constant 0 : i32
    %c0_i32_1 = arith.constant 0 : i32
    return %c0_i32, %c0_i32_0 : i32, i32
  }
  func.func @transform_11(%arg0: i32) -> (i32, i32, i32) {
    %c0_i32 = arith.constant 0 : i32
    %c0_i32_0 = arith.constant 0 : i32
    %c0_i32_1 = arith.constant 0 : i32
    %c0_i32_2 = arith.constant 0 : i32
    return %c0_i32, %c0_i32_0, %c0_i32_1 : i32, i32, i32
  }
  func.func @transform_12(%arg0: i32) -> (i32, i32) {
    %c0_i32 = arith.constant 0 : i32
    %c0_i32_0 = arith.constant 0 : i32
    %c0_i32_1 = arith.constant 0 : i32
    return %c0_i32, %c0_i32_0 : i32, i32
  }
  func.func @transform_13(%arg0: i32) -> (i32, i32, i32) {
    %c0_i32 = arith.constant 0 : i32
    %c0_i32_0 = arith.constant 0 : i32
    %c0_i32_1 = arith.constant 0 : i32
    %c0_i32_2 = arith.constant 0 : i32
    return %c0_i32, %c0_i32_0, %c0_i32_1 : i32, i32, i32
  }
  func.func @transform_14(%arg0: i32) -> (i32, i32) {
    %c0_i32 = arith.constant 0 : i32
    %c0_i32_0 = arith.constant 0 : i32
    %c0_i32_1 = arith.constant 0 : i32
    return %c0_i32, %c0_i32_0 : i32, i32
  }
  func.func @transform_15(%arg0: i32) -> (i32, i32) {
    %c0_i32 = arith.constant 0 : i32
    %c0_i32_0 = arith.constant 0 : i32
    %c0_i32_1 = arith.constant 0 : i32
    return %c0_i32, %c0_i32_0 : i32, i32
  }
  func.func @transform_16(%arg0: i32) -> (i32, i32) {
    %c0_i32 = arith.constant 0 : i32
    %c0_i32_0 = arith.constant 0 : i32
    %c0_i32_1 = arith.constant 0 : i32
    return %c0_i32, %c0_i32_0 : i32, i32
  }
  func.func @transform_17(%arg0: i32) -> (i32, i32) {
    %c0_i32 = arith.constant 0 : i32
    %c0_i32_0 = arith.constant 0 : i32
    %c0_i32_1 = arith.constant 0 : i32
    return %c0_i32, %c0_i32_0 : i32, i32
  }
  func.func @transform_18(%arg0: i32) -> (i32, i32) {
    %c0_i32 = arith.constant 0 : i32
    %c0_i32_0 = arith.constant 0 : i32
    %c0_i32_1 = arith.constant 0 : i32
    return %c0_i32, %c0_i32_0 : i32, i32
  }
  func.func @transform_19(%arg0: i32) -> (i32, i32) {
    %c0_i32 = arith.constant 0 : i32
    %c0_i32_0 = arith.constant 0 : i32
    return %arg0, %c0_i32 : i32, i32
  }
  func.func @transform_20(%arg0: i32) -> (i32, i32) {
    %c0_i32 = arith.constant 0 : i32
    %c0_i32_0 = arith.constant 0 : i32
    return %arg0, %c0_i32 : i32, i32
  }
  func.func @transform_21(%arg0: i32) -> (i32, i32) {
    %c0_i32 = arith.constant 0 : i32
    %c0_i32_0 = arith.constant 0 : i32
    return %arg0, %c0_i32 : i32, i32
  }
  func.func @transform_22(%arg0: i32) -> (i32, i32) {
    %c0_i32 = arith.constant 0 : i32
    %c0_i32_0 = arith.constant 0 : i32
    return %arg0, %c0_i32 : i32, i32
  }
  func.func @transform_23(%arg0: i32) -> (i32, i32) {
    %c0_i32 = arith.constant 0 : i32
    %c0_i32_0 = arith.constant 0 : i32
    return %arg0, %c0_i32 : i32, i32
  }
  func.func @transform_24(%arg0: i32) -> (i32, i32) {
    %c0_i32 = arith.constant 0 : i32
    %c0_i32_0 = arith.constant 0 : i32
    return %arg0, %c0_i32 : i32, i32
  }
  func.func @transform_25(%arg0: i32) -> (i32, i32) {
    %c0_i32 = arith.constant 0 : i32
    %c0_i32_0 = arith.constant 0 : i32
    return %arg0, %c0_i32 : i32, i32
  }
  func.func @transform_26(%arg0: i32) -> (i32, i32) {
    %c0_i32 = arith.constant 0 : i32
    %c0_i32_0 = arith.constant 0 : i32
    return %arg0, %c0_i32 : i32, i32
  }
  func.func @transform_27(%arg0: i32) -> (i32, i32) {
    %c0_i32 = arith.constant 0 : i32
    %c0_i32_0 = arith.constant 0 : i32
    return %arg0, %c0_i32 : i32, i32
  }
}

</mosaic_0001>

<sc_bundles>
// kernel: kernel.7.cloned.1.call-start
scs
__scs_entry_jumppad:
0x0: {  	(pc) =	sbr.rel $0x88, $3  }
0x1: {  	(tag) =	ssettag $0x0;
	lr =	simm.s32 $0x1  }
0x2: {  	[smem:$0x3F90] =	sst lr;
	_ =	strace $0xD0000000  }
0x3: {  	_ = 	snop  }
0x4: {  	_ = 	snop  }
0x5: {  	_ = 	snop  }
0x6: {  	_ = 	snop  }
0x7: {  	_ = 	snop  }
__scs_overlays_trampoline_lowered:
0x8: {  	[smem:$0x3F9F] =	sst s0  }
0x9: {  	[smem:$0x3FA0] =	sst s1  }
0xa: {  	[smem:$0x3FA1] =	sst s2  }
0xb: {  	[smem:$0x3FA2] =	sst s3  }
0xc: {  	[smem:$0x3FA3] =	sst s4  }
0xd: {  	[smem:$0x3FA4] =	sst s5  }
0xe: {  	[smem:$0x3FA5] =	sst s6  }
0xf: {  	[smem:$0x3FA6] =	sst s7  }
0x10: {  	[smem:$0x3FA7] =	sst s8  }
0x11: {  	[smem:$0x3FA8] =	sst s9;
	s0 =	simm.s32 @!p0 $0x0  }
0x12: {  	s1 =	sld [smem:$0x3F8E];
	s0 =	simm.s32 @p0 $0x1  }
0x13: {  	[smem:$0x3FA9] =	sst s0;
	s0 =	simm.s32 @!p1 $0x0  }
0x14: {  	s2 =	sld [smem:$0x3F8D];
	s0 =	simm.s32 @p1 $0x1  }
0x15: {  	[smem:$0x3FAA] =	sst s0;
	s0 =	simm.s32 @!p2 $0x0  }
0x16: {  	s3 =	sld [smem:$0x3FDB];
	s0 =	simm.s32 @p2 $0x1  }
0x17: {  	s4 =	simm.s32 $0x1BF5;
	[smem:$0x3FAC] =	sst s0  }
0x18: {  	s0 =	sld [smem:$0x3F8F];
	_ =	swait.ge [sflag:s4], $0x0  }
0x19: {  	s7 =	sld [smem:$0x3F90]  }
0x1a: {  	s8 =	sadd.s32 $0xFFFFE003, lr  }
0x1b: {  	s9 =	sadd.s32 $0xFFFFFEF7, lr;
	s5 =	simm.s32 $0xFFFFFFFF;
	p2 =	slt.u32 s8, $0xFFFFF086  }
0x1c: {  	p1 =	slt.u32 s9, $0xF7A;
	s5 =	simm.s32 @!p2 $0x0  }
0x1d: {  	s5 =	simm.s32 @p1 $0x1;
	p0 =	seq.s32 s7, s2  }
0x1e: {  	s7 =	smul.u32 @!p0 $0xF7A, s2;
	p2 =	seq.s32 @!p0 s5, $0x0  }
0x1f: {  	s9 =	smul.u32 $0xF7A, s1;
	s8 =	simm.s32 @!p0 $0x1BF5;
	p2 =	por !p2, p0  }
0x20: {  	[sflag:s8] =	ssyncset.s32 @!p0 $0xFFFFF086;
	s6 =	sadd.s32 @!p0 s3, s7;
	s7 =	simm.s32 @!p0 $0x108  }
0x21: {  	s3 =	sadd.s32 s3, s9;
	s6 =	sadd.s32 @!p0 $0x88, s6;
	s7 =	simm.s32 @p2 $0x1082  }
0x22: {  	[simem:s7], [sflag:s8] =	dma.local @!p0 [hbm:s6], $0xF7A  }
0x23: {  	s9 =	sor.u32 $0xD0000000, s2;
	s6 =	simm.s32 $0x108;
	_ =	swait.ge @!p0 [sflag:s8], $0x0  }
0x24: {  	s3 =	sadd.s32 $0x88, s3;
	s6 =	simm.s32 @!p1 $0x1082;
	[sflag:s4] =	ssyncset.s32 $0xFFFFF086  }
0x25: {  	[simem:s6], [sflag:s4] =	dma.local [hbm:s3], $0xF7A  }
0x26: {  	[smem:$0x3F90] =	sst s1;
	(tag) =	ssettag s2;
	_ =	strace s9  }
0x27: {  	s1 =	sld [smem:$0x3FA0]  }
0x28: {  	s2 =	sld [smem:$0x3FA1]  }
0x29: {  	s4 =	sld [smem:$0x3FA3]  }
0x2a: {  	p0 =	seq.s32 s5, $0x0;
	s5 =	sld [smem:$0x3FA4]  }
0x2b: {  	s6 =	sld [smem:$0x3FA5]  }
0x2c: {  	s7 =	sld [smem:$0x3FA6]  }
0x2d: {  	s3 =	simm.s32 $0x108;
	s8 =	sld [smem:$0x3FA7]  }
0x2e: {  	s3 =	simm.s32 @!p0 $0x1082;
	s9 =	sld [smem:$0x3FA8]  }
0x2f: {  	lr =	sadd.s32 s0, s3;
	s0 =	sld [smem:$0x3F9F]  }
0x30: {  	s3 =	sld [smem:$0x3FA2]  }
0x31: {  	[smem:$0x3FAB] =	sst s10  }
0x32: {  	s10 =	sld [smem:$0x3FA9];
	_ =	sdelay $0x3  }
0x33: {  	p0 =	seq.s32 s10, $0x1;
	s10 =	sld [smem:$0x3FAB];
	_ =	sdelay $0x3  }
0x34: {  	[smem:$0x3FAB] =	sst s10  }
0x35: {  	s10 =	sld [smem:$0x3FAA];
	_ =	sdelay $0x3  }
0x36: {  	p1 =	seq.s32 s10, $0x1;
	s10 =	sld [smem:$0x3FAB];
	_ =	sdelay $0x3  }
0x37: {  	[smem:$0x3FAB] =	sst s10  }
0x38: {  	s10 =	sld [smem:$0x3FAC]  }
0x39: {  	_ = 	snop;
	(pc) =	sbr.ind lr, $3  }
0x3a: {  	_ = 	snop  }
0x3b: {  	_ = 	snop  }
0x3c: {  	p2 =	seq.s32 s10, $0x1;
	s10 =	sld [smem:$0x3FAB]  }
0x3d: {  	_ =	shalt  }
0x3e: {  	_ =	shalt  }
0x3f: {  	_ =	shalt  }
0x40: {  	_ =	shalt  }
0x41: {  	_ =	shalt  }
0x42: {  	_ =	shalt  }
0x43: {  	_ =	shalt  }
0x44: {  	_ =	shalt  }
0x45: {  	_ =	shalt  }
0x46: {  	_ =	shalt  }
0x47: {  	_ =	shalt  }
0x48: {  	_ =	shalt  }
0x49: {  	_ =	shalt  }
0x4a: {  	_ =	shalt  }
0x4b: {  	_ =	shalt  }
0x4c: {  	_ =	shalt  }
0x4d: {  	_ =	shalt  }
0x4e: {  	_ =	shalt  }
0x4f: {  	_ =	shalt  }
0x50: {  	_ =	shalt  }
0x51: {  	_ =	shalt  }
0x52: {  	_ =	shalt  }
0x53: {  	_ =	shalt  }
0x54: {  	_ =	shalt  }
0x55: {  	_ =	shalt  }
0x56: {  	_ =	shalt  }
0x57: {  	_ =	shalt  }
0x58: {  	_ =	shalt  }
0x59: {  	_ =	shalt  }
0x5a: {  	_ =	shalt  }
0x5b: {  	_ =	shalt  }
0x5c: {  	_ =	shalt  }
0x5d: {  	_ =	shalt  }
0x5e: {  	_ =	shalt  }
0x5f: {  	_ =	shalt  }
0x60: {  	_ =	shalt  }
0x61: {  	_ =	shalt  }
0x62: {  	_ =	shalt  }
0x63: {  	_ =	shalt  }
0x64: {  	_ =	shalt  }
0x65: {  	_ =	shalt  }
0x66: {  	_ =	shalt  }
0x67: {  	_ =	shalt  }
0x68: {  	_ =	shalt  }
0x69: {  	_ =	shalt  }
0x6a: {  	_ =	shalt  }
0x6b: {  	_ =	shalt  }
0x6c: {  	_ =	shalt  }
0x6d: {  	_ =	shalt  }
0x6e: {  	_ =	shalt  }
0x6f: {  	_ =	shalt  }
0x70: {  	_ =	shalt  }
0x71: {  	_ =	shalt  }
0x72: {  	_ =	shalt  }
0x73: {  	_ =	shalt  }
0x74: {  	_ =	shalt  }
0x75: {  	_ =	shalt  }
0x76: {  	_ =	shalt  }
0x77: {  	_ =	shalt  }
0x78: {  	_ =	shalt  }
0x79: {  	_ =	shalt  }
0x7a: {  	_ =	shalt  }
0x7b: {  	_ =	shalt  }
0x7c: {  	_ =	shalt  }
0x7d: {  	_ =	shalt  }
0x7e: {  	_ =	shalt  }
0x7f: {  	_ =	shalt  }
0x80: {  	_ =	shalt  }
0x81: {  	_ =	shalt  }
0x82: {  	_ =	shalt  }
0x83: {  	_ =	shalt  }
0x84: {  	_ =	shalt  }
0x85: {  	_ =	shalt  }
0x86: {  	_ =	shalt  }
0x87: {  	_ =	shalt  }
.Lfunc_end0:
.L_simem_size_0:
called_computation_lowered:
.L_overlay_start_0:
0x88: {  	s2 =	sld [smem:$0x3FD9]  }
0x89: {  	s3 =	sld [smem:$0x3FFE];
	_ =	sdelay $0x1  }
0x8a: {  	s1 =	srdreg.scid  }
0x8b: {  	s0 =	sand.u32 $0x1, s1  }
0x8c: {  	s14 =	sshll.u32 s0, $0xA;
	s2 =	sadd.s32 s3, s2  }
0x8d: {  	s2 =	sadd.s32 s2, s14  }
0x8e: {  	[smem:$0x3FB7] =	sst s2  }
0x8f: {  	_ = 	snop  }
0x90: {  	s2 =	sld [smem:$0x3FD0];
	_ =	sdelay $0x2  }
0x91: {  	s15 =	simm.s32 $0xA;
	s4 =	simm.s32 $0x10  }
0x92: {  	[smem:s4], [sflag:s15] =	dma.local [hbm:s2], $0x1  }
0x93: {  	_ =	swait.eq [sflag:s15], $0x1  }
0x94: {  	[sflag:s15] =	ssyncset.done $0x0  }
0x95: {  	[sflag:s15] =	ssyncadd.s32 $0xFFFFFFFF  }
0x96: {  	s16 =	sld [smem:$0x17];
	(tm) =	ssettm $0x1  }
0x97: {  	s17 =	sld [smem:$0x3FFB];
	_ =	sdelay $0x3  }
0x98: {  	_ =	strace s17  }
0x99: {  	s3 =	sld [smem:$0x3FFC];
	_ =	sdelay $0x3  }
0x9a: {  	_ =	strace s3  }
0x9b: {  	s3 =	sld [smem:$0x3FFD];
	_ =	sdelay $0x3  }
0x9c: {  	_ =	strace s3  }
0x9d: {  	_ =	strace $0x8FFFFFFF  }
0x9e: {  	s18 =	sld [smem:$0x3FDB];
	_ =	sdelay $0x1  }
0x9f: {  	s19 =	simm.s32 $_scs_section_size  }
0xa0: {  	s5 =	simm.s32 $_size__tile_overlayer_lowered;
	s6 =	simm.s32 $_tile_overlayer_lowered  }
0xa1: {  	s22 =	simm.s32 $0x1BFF;
	s21 =	sshll.u32 s6, $0x1;
	s3 =	sadd.s32 s19, s18  }
0xa2: {  	s7 =	simm.s32 $0x0;
	s20 =	sshll.u32 s5, $0x1;
	s5 =	sadd.s32 s21, s3  }
0xa3: {  	[timem:s7], [sflag:s22] =	dma.local [hbm:s5], s20  }
0xa4: {  	_ =	swait.ge [sflag:s22], s20  }
0xa5: {  	s4 =	ssub.s32 $0x0, s20;
	[sflag:s22] =	ssyncset.done $0x0  }
0xa6: {  	[sflag:s22] =	ssyncadd.s32 s4;
	_ =	sdelay $0x1  }
0xa7: {  	s23 =	simm.s32 $0x1B8B  }
0xa8: {  	_ =	swait.ge [sflag:s23], $0x1  }
0xa9: {  	[sflag:s23] =	ssyncset.done $0x0  }
0xaa: {  	s25 =	simm.s32 $0x1B8E;
	s24 =	sld [smem:$0x3FFE];
	[sflag:s23] =	ssyncadd.s32 $0xFFFFFFFF  }
0xab: {  	s26 =	simm.s32 $execute0_lowered;
	[smem:$0x3FD2] =	sst s25  }
0xac: {  	s5 =	sshll.u32 s26, $0x1;
	_ =	strace $0x80000046;
	[dreg:$0x1] =	wrdreg $0xFFFFFFFF  }
0xad: {  	s28 =	simm.s32 $_size_execute0_lowered;
	s3 =	sadd.s32 s3, s5;
	[dreg:$0x0] =	wrdreg $0x0  }
0xae: {  	s5 =	sshll.u32 s28, $0x1;
	[dreg:$0x2] =	wrdreg s3  }
0xaf: {  	[dreg:$0x3] =	wrdreg s5  }
0xb0: {  	[dreg:$0x4] =	wrdreg $0xC0  }
0xb1: {  	_ =	task [dreg:s7], $0x5FFFF  }
0xb2: {  	[dreg:$0x1] =	wrdreg $0xFFFFFFFF  }
0xb3: {  	[dreg:$0x0] =	wrdreg $0x60  }
0xb4: {  	[dreg:$0x2] =	wrdreg s16  }
0xb5: {  	[dreg:$0x3] =	wrdreg s24  }
0xb6: {  	[dreg:$0x4] =	wrdreg $0x9  }
0xb7: {  	_ =	task.clear_ibuf [dreg:s7], $0x5FFFF;
	_ =	strace $0x90000046  }
0xb8: {  	s29 =	simm.s32 $0x9;
	_ =	strace $0x80000048  }
0xb9: {  	_ =	swait.ge [sflag:s29], $0x1  }
0xba: {  	[sflag:s29] =	ssyncadd.s32 $0xFFFFFFFF  }
0xbb: {  	_ =	strace $0x90000048  }
0xbc: {  	_ =	sfence  }
0xbd: {  	s30 =	sld [smem:$0x0];
	_ =	sdelay $0x2  }
0xbe: {  	s31 =	sshll.u32 s1, $0xD;
	s1 =	sshrl.u32 s1, $0x2  }
0xbf: {  	s3 =	sand.u32 $0x4000, s31;
	s1 =	sadd.s32 s1, s30  }
0xc0: {  	s0 =	sor.u32 s3, s0;
	s1 =	sshll.u32 s1, $0x11  }
0xc1: {  	s0 =	sor.u32 s1, s0  }
0xc2: {  	s0 =	sadd.s32 $0x8F2B, s0  }
0xc3: {  	[sflag:s0] =	ssyncadd.remote.s32 $0x1  }
0xc4: {  	_ =	sfence.sel $0xFFFF  }
0xc5: {  	[dreg:$0x0] =	wrdreg $0xFFFFFFFF;
	(pc) =	sbr.abs _section_cstart, $3  }
0xc6: {  	[dreg:$0x1] =	wrdreg $0xFFFFFFFF  }
0xc7: {  	_ =	task.clear_ibuf [dreg:s7], $0x2FFFF;
	_ =	strace $0x9FFFFFFF  }
0xc8: {  	(tm) =	ssettm $0x7FFFFFFF  }
0xc9: {  	_ =	shalt  }
tec
execute0_lowered:
.L_overlay_start_1:
0x0: {  	(tag) =	ssettag $0x1  }
0x1: {  	s7 =	rddreg [dreg:$0x0]  }
0x2: {  	s6 =	rddreg [dreg:$0x1]  }
0x3: {  	s0 =	rddreg [dreg:$0x2];
	s1 =	simm.s32 $0x0  }
0x4: {  	s8 =	srdreg.scid;
	s2 =	stileid.u32;
	s13 =	simm.s32 $0x1580  }
0x5: {  	s16 =	simm.s32 $0x1;
	s18 =	simm.s32 $0x1500;
	s19 =	simm.s32 $0x0  }
0x6: {  	[smem:$0x7FF] =	sst s1;
	s3 =	sadd.s32 $0x304E00, s6;
	s4 =	sadd.s32 $0x4E00, s6  }
0x7: {  	s5 =	sadd.s32 $0x1B4E00, s6;
	s8 =	sand.u32 $0x1, s8;
	s9 =	sshll.u32 s2, $0x1  }
0x8: {  	s6 =	sadd.s32 $0xC4E00, s6;
	s11 =	sshrl.u32 s2, $0x3;
	_ =	strace $0x80000047  }
0x9: {  	s10 =	ssub.s32 $0x2, s8;
	s8 =	sor.u32 s8, s9;
	s14 =	sshll.u32 s11, $0xF  }
0xa: {  	s15 =	sshll.u32 s11, $0x10;
	s17 =	sshll.u32 s11, $0xC;
	s11 =	simm.s32 $0x80  }
0xb: {  	s30 =	sshrl.u32 s10, $0x1;
	s12 =	smul.u32 $0x280, s8;
	s31 =	sand.u32 $0xF, s8  }
0xc: {  	v0 =	vmov s14;
	v1 =	vmov s15;
	s14 =	simm.s32 $0x1480;
	s15 =	simm.s32 $0x2D80;
	v2 =	vmov s17;
	s17 =	simm.s32 $0x2  }
0xd: {  	s9 =	ssub.s32 s10, s30;
	s10 =	simm.s32 $0x3;
	s7 =	sadd.s32 s7, s12  }
0xe: {  	v3 =	vlaneseq.u32;
	v4 =	vimm.s32 $0x0;
	s8 =	smax.u32 s9, $0x1;
	s9 =	smul.u32 $0x1400, s31;
	s12 =	simm.s32 $0x1400  }
.LBB2_1:
0xf: {  	[tilespmem:s1], [sflag:$0x3] =	stream.linear.gather [hbm4b:s7+s1], $0x1400, $0x38;
	[tilespmem:$0x4580] =	vst v63  }
0x10: {  	_ =	swait.ge [sflag:s10], $0x1400  }
0x11: {  	s20 =	simm.s32 $0x0;
	[sflag:s10] =	ssyncset.done $0x0  }
0x12: {  	s22 =	simm.s32 $0x0;
	s21 =	smov.u32 s9;
	[sflag:s10] =	ssyncadd.s32 $0xFFFFEC00  }
.LBB2_2:
0x13: {  	v6 =	vor.u32 s21, v3  }
0x14: {  	v7 =	vmulhi.u32 $0xCCCCCCCD, v6  }
0x15: {  	v5 =	vmov s20  }
0x16: {  	v7 =	vshrl.u32 v7, $0x4  }
0x17: {  	s25 =	sadd.s32 $0x10, s21;
	v8 =	vmul.u32 $0xFFFFFFEC, v7  }
0x18: {  	v9 =	vor.u32 s25, v3  }
0x19: {  	v10 =	vmov s21;
	s23 =	simm.s32 $0x0;
	v6 =	vadd.s32 v6, v8;
	v8 =	vmulhi.u32 $0xCCCCCCCD, v9  }
0x1a: {  	vm0 =	veq.s32 v10, v3;
	v10 =	vld.idx.msk [tilespmem:v5+s23+$0x0 ss:$0x1], $0xffff  }
0x1b: {  	v11 =	vshll.u32 v6, $0xD;
	vm1 =	vne.s32 v6, $0x0;
	v8 =	vshrl.u32 v8, $0x4  }
0x1c: {  	v6 =	vadd.s32 v2, v7;
	vm0 =	vmand vm0, vm1;
	v7 =	vmul.u32 $0xFFFFFFEC, v8  }
0x1d: {  	v6 =	vadd.s32 v11, v6;
	v11 =	vsel vm0, $0xFFFFFFFF, v4  }
0x1e: {  	v11 =	vadd.s32 v11, v6;
	v6 =	vmov s25;
	v9 =	vadd.s32 v9, v7  }
0x1f: {  	vm0 =	veq.s32 v6, v3;
	v7 =	vadd.s32 v2, v8;
	v8 =	vshra.s32 v10, $0x10  }
0x20: {  	v10 =	vand.u32 $0xFFFF, v10;
	v6 =	vshll.u32 v9, $0xD;
	vm1 =	vne.s32 v9, $0x0  }
0x21: {  	s24 =	simm.s32 $0x40;
	s26 =	simm.s32 $0x80;
	s25 =	sadd.s32 $0x10, s25;
	[tilespmem:s23+$0x1500] =	vst v11;
	v9 =	vadd.s32 v0, v8;
	v8 =	vor.u32 v1, v10;
	vm0 =	vmand vm0, vm1  }
.LBB2_3:
0x22: {  	v10 =	vor.u32 s25, v3;
	p0 =	sne.s32 s26, $0x1C0;
	v11 =	vsel vm0, $0xFFFFFFFF, v4;
	v6 =	vadd.s32 v6, v7;
	[tilespmem:s23+$0x1400] =	vst v9  }
0x23: {  	v7 =	vmulhi.u32 $0xCCCCCCCD, v10;
	v6 =	vadd.s32 v11, v6;
	[tilespmem:s23+$0x1480] =	vst v8;
	s23 =	sshra.s32 s24, $0x2;
	s24 =	smov.u32 s26  }
0x24: {  	v8 =	vld.idx.msk [tilespmem:v5+s23+$0x0 ss:$0x1], $0xffff;
	[tilespmem:s23+$0x1500] =	vst v6  }
0x25: {  	v7 =	vshrl.u32 v7, $0x4  }
0x26: {  	v6 =	vmul.u32 $0xFFFFFFEC, v7  }
.Ltmp0:
0x27: {  	(pc) =	sbr.rel @p0 .LBB2_3-.Ltmp0, $4  }
0x28: {  	v9 =	vmov s25;
	v10 =	vadd.s32 v10, v6  }
0x29: {  	vm0 =	veq.s32 v9, v3;
	v7 =	vadd.s32 v2, v7;
	v6 =	vshll.u32 v10, $0xD  }
0x2a: {  	vm1 =	vne.s32 v10, $0x0;
	v9 =	vshra.s32 v8, $0x10;
	v8 =	vand.u32 $0xFFFF, v8  }
0x2b: {  	s25 =	sadd.s32 $0x10, s25;
	s26 =	sadd.s32 $0x40, s26;
	vm0 =	vmand vm0, vm1;
	v9 =	vadd.s32 v0, v9;
	v8 =	vor.u32 v1, v8  }
0x2c: {  	_ =	sdelay $0x1  }
0x2d: {  	[tilespmem:s23+$0x1400] =	vst v9  }
0x2e: {  	s24 =	sshra.s32 s24, $0x2;
	[tilespmem:s23+$0x1480] =	vst v8  }
0x2f: {  	v5 =	vld.idx.msk [tilespmem:v5+s24+$0x0 ss:$0x1], $0xffff;
	_ =	sdelay $0x3  }
0x30: {  	v63 =	vsel vm0, $0xFFFFFFFF, v4;
	v6 =	vadd.s32 v6, v7  }
0x31: {  	v6 =	vadd.s32 v63, v6;
	v7 =	vshra.s32 v5, $0x10  }
0x32: {  	[tilespmem:s24+$0x1500] =	vst v6;
	v5 =	vand.u32 $0xFFFF, v5;
	v6 =	vadd.s32 v0, v7  }
0x33: {  	v5 =	vor.u32 v1, v5;
	[tilespmem:s24+$0x1400] =	vst v6  }
0x34: {  	[tilespmem:s24+$0x1480] =	vst v5  }
0x35: {  	[tilespmem:s13], [sflag:$0x1] =	stream.indirect.gather [hbm4b:s3+s11], $0x30, s12, s11, $0xb8;
	[tilespmem:$0x4580] =	vst v63  }
0x36: {  	_ = 	snop  }
0x37: {  	[tilespmem:s15], [sflag:$0x2] =	stream.indirect.gather [hbm4b:s4+s11], $0x30, s14, s11, $0xb8;
	[tilespmem:$0x4580] =	vst v63  }
0x38: {  	_ =	swait.ge [sflag:s16], $0x1800  }
0x39: {  	[sflag:s16] =	ssyncset.done $0x0  }
0x3a: {  	[sflag:s16] =	ssyncadd.s32 $0xFFFFE800  }
0x3b: {  	_ =	swait.ge [sflag:s17], $0x1800  }
0x3c: {  	[sflag:s17] =	ssyncset.done $0x0  }
0x3d: {  	[sflag:s17] =	ssyncadd.s32 $0xFFFFE800  }
0x3e: {  	[hbm4b:s5+s11] =	stream.indirect.scatter [tilespmem:s13], [sflag:$0x1], $0x30, s18, s11, $0xb8;
	[tilespmem:$0x4580] =	vst v63  }
0x3f: {  	s22 =	sadd.s32 $0x1, s22  }
0x40: {  	[hbm4b:s6+s11] =	stream.indirect.scatter [tilespmem:s15], [sflag:$0x2], $0x30, s18, s11, $0xb8;
	[tilespmem:$0x4580] =	vst v63  }
0x41: {  	p0 =	sne.s32 s22, $0x28;
	_ =	swait.ge [sflag:s16], $0x1800  }
.Ltmp1:
0x42: {  	[sflag:s16] =	ssyncset.done $0x0;
	(pc) =	sbr.rel @p0 .LBB2_2-.Ltmp1, $4  }
0x43: {  	[sflag:s16] =	ssyncadd.s32 $0xFFFFE800  }
0x44: {  	_ =	swait.ge [sflag:s17], $0x1800  }
0x45: {  	[sflag:s17] =	ssyncset.done $0x0  }
0x46: {  	s21 =	sadd.s32 $0x80, s21;
	s20 =	sadd.s32 $0x80, s20;
	[sflag:s17] =	ssyncadd.s32 $0xFFFFE800  }
0x47: {  	s19 =	sadd.s32 $0x1, s19  }
0x48: {  	p0 =	sne.s32 s19, s8  }
.Ltmp2:
0x49: {  	_ = 	snop;
	(pc) =	sbr.rel @p0 .LBB2_1-.Ltmp2, $1  }
0x4a: {  	_ =	sdelay $0x3  }
0x4b: {  	_ =	sfence.sel $0x180000  }
0x4c: {  	[bflag:$0x0] =	sbarrier.arrive $0xFFFF  }
0x4d: {  	p0 =	sne.s32 s2, $0x0;
	_ =	strace $0x90000047  }
0x4e: {  	s0 =	sadd.s32 @!p0 $0x100000, s0;
	[bflag:$0x2] =	sbarrier.arrive $0xFFFF  }
0x4f: {  	[sflag:s0] =	ssyncadd.tile.s32 @!p0 $0x1;
	_ =	shalt  }
.Lfunc_end2:
_tile_overlayer_lowered:
.L_overlay_start_2:
0x50: {  	(tag) =	ssettag $0x2  }
0x51: {  	s0 =	rddreg [dreg:$0x0];
	s2 =	stileid.u32  }
0x52: {  	s1 =	rddreg [dreg:$0x1];
	p0 =	sne.s32 s2, $0x0  }
0x53: {  	s3 =	rddreg [dreg:$0x2];
	[bflag:$0x3] =	sbarrier.arrive $0xFFFF;
	s2 =	simm.s32 @!p0 $0x1C03  }
0x54: {  	[timem:s3], [sflag:s2] =	dma.local @!p0 [hbm:s0], s1  }
0x55: {  	s0 =	simm.s32 @!p0 $0x3  }
0x56: {  	_ =	swait.ge @!p0 [sflag:s0], s1  }
0x57: {  	s1 =	ssub.s32 @!p0 $0x0, s1;
	[sflag:s0] =	ssyncset.done @!p0 $0x0  }
0x58: {  	[sflag:s0] =	ssyncadd.s32 @!p0 s1  }
0x59: {  	[bflag:$0x3] =	sbarrier.arrive $0xFFFF  }
0x5a: {  	_ =	shalt  }

</sc_bundles>
